<compile_context>
chip_gen: v7x
topology: tpu7x:2x2x1
jax: 0.10.2.dev20260603
libtpu: 0.0.44.dev20260713+nightly
codegen_flags: <defaults>
</compile_context>

<pallas_src>
import functools

import jax
import jax.numpy as jnp
import numpy as np
from jax import lax
from jax.experimental import pallas as pl
from jax.experimental.pallas import tpu as pltpu
from jax.experimental.pallas import tpu_sc as plsc

NUM_BINS = 256
H = 512
W = 512
NUM_IMGS = 4
HIST = NUM_BINS * NUM_BINS
TOTAL_BINS = NUM_IMGS * HIST
NTILES = 32
PER_TILE = (NUM_IMGS * H * W) // NTILES
CHUNK = 128
NCHUNK = PER_TILE // CHUNK
CORE_BINS = 2 * HIST
ZCHUNK = CORE_BINS // 16


def _grad_index_body(x0_ref, x1_ref, x2_ref, x3_ref, o_ref):
    img = pl.program_id(0)

    def one(x_ref):
        x = x_ref[0].astype(jnp.bfloat16).astype(jnp.float32)
        xd = jnp.pad(lax.slice(x, (0, 0), (H - 1, W)), ((1, 0), (0, 0)))
        xu = jnp.pad(lax.slice(x, (1, 0), (H, W)), ((0, 1), (0, 0)))
        vsm = (xd + 2.0 * x) + xu
        vdf = xu - xd

        def left(a):
            return jnp.pad(lax.slice(a, (0, 1), (H, W)), ((0, 0), (0, 1)))

        def right(a):
            return jnp.pad(lax.slice(a, (0, 0), (H, W - 1)), ((0, 0), (1, 0)))

        gx = left(vsm) - right(vsm)
        gy = (right(vdf) + 2.0 * vdf) + left(vdf)
        g = jnp.sqrt(gx * gx + gy * gy)
        gi = jnp.mod(jnp.floor(g * 255.0).astype(jnp.int32), NUM_BINS)
        q = jnp.pad(lax.slice(gi, (0, 1), (H, W)), ((0, 0), (0, 1)))
        col = lax.broadcasted_iota(jnp.int32, (H, W), 1)
        k = jnp.where(col < W - 1, gi * NUM_BINS + q, 0)
        o_ref[...] = jnp.reshape(k, (8, W * H // (8 * CHUNK), CHUNK))

    for n, r in enumerate((x0_ref, x1_ref, x2_ref, x3_ref)):
        @pl.when(img == n)
        def _(r=r):
            one(r)


def _grad_index(x0, x1, x2, x3):
    spec = pl.BlockSpec((1, H, W), lambda i: (0, 0, 0))
    return pl.pallas_call(
        _grad_index_body,
        grid=(NUM_IMGS,),
        in_specs=[spec, spec, spec, spec],
        out_specs=pl.BlockSpec((8, NCHUNK, CHUNK), lambda i: (i, 0, 0)),
        out_shape=jax.ShapeDtypeStruct((NTILES, NCHUNK, CHUNK), jnp.int32),
    )(x0, x1, x2, x3)


@functools.cache
def _sc_hist_fn():
    mesh = plsc.VectorSubcoreMesh(core_axis_name="c", subcore_axis_name="s")

    @functools.partial(
        pl.kernel,
        mesh=mesh,
        out_type=jax.ShapeDtypeStruct((2, 16, ZCHUNK), jnp.float32),
        scratch_types=[
            pltpu.VMEM((NCHUNK, CHUNK), jnp.int32),
            pltpu.VMEM((CHUNK,), jnp.float32),
            pltpu.VMEM_SHARED((CORE_BINS,), jnp.float32),
            pltpu.SemaphoreType.DMA,
        ],
    )
    def _sc_hist(idx_hbm, zeros_hbm, out_hbm, idx_v, ones_v, hist_sh, sem):
        c = lax.axis_index("c")
        s = lax.axis_index("s")
        wid = c * 16 + s
        pltpu.sync_copy(zeros_hbm, hist_sh.at[pl.ds(s * ZCHUNK, ZCHUNK)])
        pltpu.sync_copy(idx_hbm.at[wid], idx_v)
        for i in range(CHUNK // 16):
            ones_v[pl.ds(i * 16, 16)] = jnp.ones((16,), jnp.float32)
        plsc.subcore_barrier()

        grp = 16
        half = hist_sh.at[pl.ds(jnp.where(s < 8, 0, HIST), HIST)]

        def body(j, carry):
            cps = [
                pltpu.async_copy(ones_v, half.at[idx_v.at[j * grp + b]],
                                 sem, add=True)
                for b in range(grp)
            ]
            for cp in cps:
                cp.wait()
            return carry

        lax.fori_loop(0, NCHUNK // grp, body, 0)
        plsc.subcore_barrier()
        pltpu.sync_copy(hist_sh.at[pl.ds(s * ZCHUNK, ZCHUNK)], out_hbm.at[c, s])

    return _sc_hist


def _features_body(h_ref, o_ref):
    hsum = jnp.reshape(h_ref[...], (NUM_IMGS, NUM_BINS, NUM_BINS))
    iif = lax.broadcasted_iota(jnp.int32, (NUM_BINS, NUM_BINS), 0).astype(jnp.float32)
    jjf = lax.broadcasted_iota(jnp.int32, (NUM_BINS, NUM_BINS), 1).astype(jnp.float32)
    corner = jnp.where((iif == 0.0) & (jjf == 0.0), float(H), 0.0)

    arf = lax.broadcasted_iota(jnp.int32, (1, NUM_BINS), 1).astype(jnp.float32)

    def feats(hc):
        g = hc + hc.T
        g = g / jnp.sum(g)
        energy = jnp.sum(g * g)
        rs = jnp.sum(g, axis=1).reshape(1, NUM_BINS)
        cs = jnp.sum(g, axis=0).reshape(1, NUM_BINS)
        mean_i = jnp.sum(arf * rs)
        mean_j = jnp.sum(arf * cs)
        std_i = jnp.sqrt(jnp.sum((mean_i - arf) ** 2 * cs))
        std_j = jnp.sqrt(jnp.sum((mean_j - arf) ** 2 * cs))
        b = (mean_j - arf) / (std_i * std_j)
        t = jnp.sum(g * b, axis=1).reshape(1, NUM_BINS)
        corr = jnp.sum((mean_i - arf) * t)
        corr = jnp.where((std_i == 0.0) | (std_j == 0.0), 0.0, corr)
        entropy = -jnp.sum(g * jnp.log(g + 1e-08))
        return energy, corr, entropy

    f = [feats(hsum[i] - corner) for i in range(NUM_IMGS)]
    total = (jnp.abs(f[0][0] - f[1][0]) + jnp.abs(f[0][1] - f[1][1])
             + jnp.abs(f[0][2] - f[1][2]) + jnp.abs(f[2][0] - f[3][0])
             + jnp.abs(f[2][1] - f[3][1]) + jnp.abs(f[2][2] - f[3][2]))
    o_ref[0, 0] = total


def _features(hists):
    return pl.pallas_call(
        _features_body,
        out_specs=pl.BlockSpec(memory_space=pltpu.SMEM),
        out_shape=jax.ShapeDtypeStruct((1, 1), jnp.float32),
    )(hists)


def kernel(real_image, synthesized_image, real_outline, synthesized_outline):
    idx = _grad_index(real_image, synthesized_image, real_outline,
                      synthesized_outline)
    zeros = np.zeros((ZCHUNK,), np.float32)
    hist = _sc_hist_fn()(idx, zeros)
    total = _features(hist)
    return total.reshape(())

# --- scband reference (transcript-rebuilt; emitter-appended) ---
"""Pipeline reference for scband-glgcm-loss-71159018160693 (READ-ONLY COPY).

The authoritative reference and input builder live on the scoring server;
editing this copy changes nothing except your own understanding.
"""

import jax, jax.numpy as jnp
import numpy as np

NUM_BINS = 256
DISTANCE = 1


def _conv2d_same(img, kernel):
    # img: [1, H, W] (unbatched, C=1) -> add batch dim, conv with padding=1, drop batch dim
    x = img[None]  # [1,1,H,W]
    out = jax.lax.conv_general_dilated(x, kernel, window_strides=(1, 1), padding=((1, 1), (1, 1)))
    return out[0]  # [1,H,W]


def compute_gradient(image):
    kx = jnp.array([[[[-1, 0, 1], [-2, 0, 2], [-1, 0, 1]]]], dtype=jnp.float32)
    ky = jnp.array([[[[-1, -2, -1], [0, 0, 0], [1, 2, 1]]]], dtype=jnp.float32)
    gx = _conv2d_same(image, kx)
    gy = _conv2d_same(image, ky)
    g = jnp.sqrt(gx ** 2 + gy ** 2)
    # emulate torch .byte(): truncate nonnegative float to int, wrap mod 256
    gi = jnp.mod(jnp.floor(g * 255.0).astype(jnp.int32), NUM_BINS)
    return gi  # int32 [1,H,W]


def compute_glgcm(gradient):
    # gradient: [1, H, W]; loop over leading dim of size 1, co-occurrence at horizontal distance 1
    g = gradient[0]
    p = g[:, :-DISTANCE].reshape(-1)
    q = g[:, DISTANCE:].reshape(-1)
    glgcm = jnp.zeros((NUM_BINS, NUM_BINS), jnp.float32)
    glgcm = glgcm.at[p, q].add(1.0)
    glgcm = glgcm.at[q, p].add(1.0)
    glgcm = glgcm / jnp.sum(glgcm)
    return glgcm[None]  # [1, 256, 256]


def compute_features(glgcm):
    energy = jnp.sum(glgcm ** 2)
    ii, jj = jnp.meshgrid(jnp.arange(NUM_BINS, dtype=jnp.float32), jnp.arange(NUM_BINS, dtype=jnp.float32), indexing='ij')
    mean_i = jnp.sum(ii * glgcm)
    mean_j = jnp.sum(jj * glgcm)
    ar = jnp.arange(NUM_BINS, dtype=jnp.float32)
    std_i = jnp.sqrt(jnp.sum((mean_i - ar) ** 2 * glgcm))
    std_j = jnp.sqrt(jnp.sum((mean_j - ar) ** 2 * glgcm))
    corr = jnp.sum(glgcm * (mean_i - ar)[:, None] * (mean_j - ar) / (std_i * std_j))
    corr = jnp.where((std_i == 0) | (std_j == 0), jnp.array(0.0, jnp.float32), corr)
    entropy = -jnp.sum(glgcm * jnp.log(glgcm + 1e-08))
    return energy, corr, entropy


def setup_inputs(seed: int = 0) -> dict:
    key = jax.random.key(seed)
    k1, k2, k3, k4 = jax.random.split(key, 4)
    shp = (1, 512, 512)
    return {
        'real_image': jax.random.uniform(k1, shp, dtype=jnp.float32),
        'synthesized_image': jax.random.uniform(k2, shp, dtype=jnp.float32),
        'real_outline': jax.random.uniform(k3, shp, dtype=jnp.float32),
        'synthesized_outline': jax.random.uniform(k4, shp, dtype=jnp.float32),
    }


def reference(real_image, synthesized_image, real_outline, synthesized_outline):
    rg = compute_gradient(real_image)
    sg = compute_gradient(synthesized_image)
    rog = compute_gradient(real_outline)
    sog = compute_gradient(synthesized_outline)
    r_gl = compute_glgcm(rg)
    s_gl = compute_glgcm(sg)
    ro_gl = compute_glgcm(rog)
    so_gl = compute_glgcm(sog)
    rf = compute_features(r_gl)
    sf = compute_features(s_gl)
    rof = compute_features(ro_gl)
    sof = compute_features(so_gl)
    total = (jnp.abs(rf[0] - sf[0]) + jnp.abs(rf[1] - sf[1]) + jnp.abs(rf[2] - sf[2])
             + jnp.abs(rof[0] - sof[0]) + jnp.abs(rof[1] - sof[1]) + jnp.abs(rof[2] - sof[2]))
    return total

if __name__ == "__main__":
    import jax
    _d = setup_inputs()
    print(jax.jit(kernel)(*tuple(_d.values())))

</pallas_src>

<mosaic_0001>
#map = affine_map<(d0, d1) -> (0, 0, 0)>
#map1 = affine_map<(d0, d1) -> (0)>
module attributes {stable_mosaic.version = 14 : i64} {
  func.func @_sc_hist(%arg0: i32, %arg1: i32, %arg2: memref<32x256x128xi32, #tpu.memory_space<hbm>>, %arg3: memref<8192xf32, #tpu.memory_space<hbm>>, %arg4: memref<2x16x8192xf32, #tpu.memory_space<hbm>>, %arg5: memref<256x128xi32, #tpu.memory_space<vmem>>, %arg6: memref<128xf32, #tpu.memory_space<vmem>>, %arg7: memref<131072xf32, #tpu.memory_space<vmem_shared>>, %arg8: memref<!tpu.dma_semaphore, #tpu.memory_space<semaphore_mem>>) attributes {dimension_semantics = [#tpu.dimension_semantics<core_parallel>, #tpu.dimension_semantics<subcore_parallel>], iteration_bounds = array<i64: 2, 16>, scalar_prefetch = 0 : i64, scratch_operands = 4 : i64, tpu.core_type = #tpu.core_type<sc_vector_subcore>, window_params = [{transform_indices = #map}, {transform_indices = #map1}, {transform_indices = #map}]} {
    %mul3A = arith.constant 16 : i32
    %mul3A_0 = arith.muli %arg0, %mul3A : i32
    %add3A = arith.addi %mul3A_0, %arg1 : i32
    %mul3A_1 = arith.constant 8192 : i32
    %mul3A_2 = arith.muli %arg1, %mul3A_1 : i32
    "tpu.region"() ({
      %run_scoped3A = tpu.sem_alloc : memref<!tpu.dma_semaphore, #tpu.memory_space<semaphore_mem>>
      %dma_start3A = tpu.memref_slice %arg7[%mul3A_2] : memref<131072xf32, #tpu.memory_space<vmem_shared>> -> memref<8192xf32, #tpu.memory_space<vmem_shared>>
      tpu.enqueue_dma source(%arg3 : memref<8192xf32, #tpu.memory_space<hbm>>) target(%dma_start3A : memref<8192xf32, #tpu.memory_space<vmem_shared>>) target_semaphore(%run_scoped3A : memref<!tpu.dma_semaphore, #tpu.memory_space<semaphore_mem>>)
      %dma_wait3A = tpu.memref_slice %arg7[%mul3A_2] : memref<131072xf32, #tpu.memory_space<vmem_shared>> -> memref<8192xf32, #tpu.memory_space<vmem_shared>>
      tpu.wait_dma2 semaphore(%run_scoped3A : memref<!tpu.dma_semaphore, #tpu.memory_space<semaphore_mem>>) src(%arg3 : memref<8192xf32, #tpu.memory_space<hbm>>) dst(%dma_wait3A : memref<8192xf32, #tpu.memory_space<vmem_shared>>)
      tpu.yield
    }) : () -> ()
    "tpu.region"() ({
      %run_scoped3A = tpu.sem_alloc : memref<!tpu.dma_semaphore, #tpu.memory_space<semaphore_mem>>
      %dma_start3A = arith.constant 0 : i32
      %dma_start3A_59 = arith.constant 0 : i32
      %dma_start3A_60 = tpu.memref_slice %arg2[%add3A, %dma_start3A, %dma_start3A_59] : memref<32x256x128xi32, #tpu.memory_space<hbm>> -> memref<1x256x128xi32, #tpu.memory_space<hbm>>
      %dma_start3A_61 = tpu.memref_squeeze %dma_start3A_60 : memref<1x256x128xi32, #tpu.memory_space<hbm>> -> memref<256x128xi32, #tpu.memory_space<hbm>>
      %dma_start3A_62 = arith.constant 0 : i32
      %dma_start3A_63 = arith.constant 0 : i32
      %dma_start3A_64 = tpu.memref_slice %arg2[%add3A, %dma_start3A_62, %dma_start3A_63] : memref<32x256x128xi32, #tpu.memory_space<hbm>> -> memref<1x256x128xi32, #tpu.memory_space<hbm>>
      %dma_start3A_65 = tpu.memref_squeeze %dma_start3A_64 : memref<1x256x128xi32, #tpu.memory_space<hbm>> -> memref<256x128xi32, #tpu.memory_space<hbm>>
      tpu.enqueue_dma source(%dma_start3A_65 : memref<256x128xi32, #tpu.memory_space<hbm>>) target(%arg5 : memref<256x128xi32, #tpu.memory_space<vmem>>) target_semaphore(%run_scoped3A : memref<!tpu.dma_semaphore, #tpu.memory_space<semaphore_mem>>)
      %dma_wait3A = arith.constant 0 : i32
      %dma_wait3A_66 = arith.constant 0 : i32
      %dma_wait3A_67 = tpu.memref_slice %arg2[%add3A, %dma_wait3A, %dma_wait3A_66] : memref<32x256x128xi32, #tpu.memory_space<hbm>> -> memref<1x256x128xi32, #tpu.memory_space<hbm>>
      %dma_wait3A_68 = tpu.memref_squeeze %dma_wait3A_67 : memref<1x256x128xi32, #tpu.memory_space<hbm>> -> memref<256x128xi32, #tpu.memory_space<hbm>>
      %dma_wait3A_69 = arith.constant 0 : i32
      %dma_wait3A_70 = arith.constant 0 : i32
      %dma_wait3A_71 = tpu.memref_slice %arg2[%add3A, %dma_wait3A_69, %dma_wait3A_70] : memref<32x256x128xi32, #tpu.memory_space<hbm>> -> memref<1x256x128xi32, #tpu.memory_space<hbm>>
      %dma_wait3A_72 = tpu.memref_squeeze %dma_wait3A_71 : memref<1x256x128xi32, #tpu.memory_space<hbm>> -> memref<256x128xi32, #tpu.memory_space<hbm>>
      tpu.wait_dma2 semaphore(%run_scoped3A : memref<!tpu.dma_semaphore, #tpu.memory_space<semaphore_mem>>) src(%dma_wait3A_72 : memref<256x128xi32, #tpu.memory_space<hbm>>) dst(%arg5 : memref<256x128xi32, #tpu.memory_space<vmem>>)
      tpu.yield
    }) : () -> ()
    %broadcast_in_dim3A = arith.constant 1.000000e+00 : f32
    %broadcast_in_dim3A_3 = vector.broadcast %broadcast_in_dim3A : f32 to vector<16xf32>
    %swap3A = arith.constant 0 : index
    %swap3A_4 = tpu.vector_load %arg6[%swap3A] {strides = array<i32>} : memref<128xf32, #tpu.memory_space<vmem>>, vector<16xf32>,
    %swap3A_5 = vector.shape_cast %swap3A_4 : vector<16xf32> to vector<16xf32>
    %swap3A_6 = vector.shape_cast %broadcast_in_dim3A_3 : vector<16xf32> to vector<16xf32>
    tpu.vector_store %arg6[%swap3A], %swap3A_6 {strides = array<i32>} : memref<128xf32, #tpu.memory_space<vmem>>, vector<16xf32>,
    %broadcast_in_dim3A_7 = arith.constant 1.000000e+00 : f32
    %broadcast_in_dim3A_8 = vector.broadcast %broadcast_in_dim3A_7 : f32 to vector<16xf32>
    %swap3A_9 = arith.constant 16 : index
    %swap3A_10 = tpu.vector_load %arg6[%swap3A_9] {strides = array<i32>} : memref<128xf32, #tpu.memory_space<vmem>>, vector<16xf32>,
    %swap3A_11 = vector.shape_cast %swap3A_10 : vector<16xf32> to vector<16xf32>
    %swap3A_12 = vector.shape_cast %broadcast_in_dim3A_8 : vector<16xf32> to vector<16xf32>
    tpu.vector_store %arg6[%swap3A_9], %swap3A_12 {strides = array<i32>} : memref<128xf32, #tpu.memory_space<vmem>>, vector<16xf32>,
    %broadcast_in_dim3A_13 = arith.constant 1.000000e+00 : f32
    %broadcast_in_dim3A_14 = vector.broadcast %broadcast_in_dim3A_13 : f32 to vector<16xf32>
    %swap3A_15 = arith.constant 32 : index
    %swap3A_16 = tpu.vector_load %arg6[%swap3A_15] {strides = array<i32>} : memref<128xf32, #tpu.memory_space<vmem>>, vector<16xf32>,
    %swap3A_17 = vector.shape_cast %swap3A_16 : vector<16xf32> to vector<16xf32>
    %swap3A_18 = vector.shape_cast %broadcast_in_dim3A_14 : vector<16xf32> to vector<16xf32>
    tpu.vector_store %arg6[%swap3A_15], %swap3A_18 {strides = array<i32>} : memref<128xf32, #tpu.memory_space<vmem>>, vector<16xf32>,
    %broadcast_in_dim3A_19 = arith.constant 1.000000e+00 : f32
    %broadcast_in_dim3A_20 = vector.broadcast %broadcast_in_dim3A_19 : f32 to vector<16xf32>
    %swap3A_21 = arith.constant 48 : index
    %swap3A_22 = tpu.vector_load %arg6[%swap3A_21] {strides = array<i32>} : memref<128xf32, #tpu.memory_space<vmem>>, vector<16xf32>,
    %swap3A_23 = vector.shape_cast %swap3A_22 : vector<16xf32> to vector<16xf32>
    %swap3A_24 = vector.shape_cast %broadcast_in_dim3A_20 : vector<16xf32> to vector<16xf32>
    tpu.vector_store %arg6[%swap3A_21], %swap3A_24 {strides = array<i32>} : memref<128xf32, #tpu.memory_space<vmem>>, vector<16xf32>,
    %broadcast_in_dim3A_25 = arith.constant 1.000000e+00 : f32
    %broadcast_in_dim3A_26 = vector.broadcast %broadcast_in_dim3A_25 : f32 to vector<16xf32>
    %swap3A_27 = arith.constant 64 : index
    %swap3A_28 = tpu.vector_load %arg6[%swap3A_27] {strides = array<i32>} : memref<128xf32, #tpu.memory_space<vmem>>, vector<16xf32>,
    %swap3A_29 = vector.shape_cast %swap3A_28 : vector<16xf32> to vector<16xf32>
    %swap3A_30 = vector.shape_cast %broadcast_in_dim3A_26 : vector<16xf32> to vector<16xf32>
    tpu.vector_store %arg6[%swap3A_27], %swap3A_30 {strides = array<i32>} : memref<128xf32, #tpu.memory_space<vmem>>, vector<16xf32>,
    %broadcast_in_dim3A_31 = arith.constant 1.000000e+00 : f32
    %broadcast_in_dim3A_32 = vector.broadcast %broadcast_in_dim3A_31 : f32 to vector<16xf32>
    %swap3A_33 = arith.constant 80 : index
    %swap3A_34 = tpu.vector_load %arg6[%swap3A_33] {strides = array<i32>} : memref<128xf32, #tpu.memory_space<vmem>>, vector<16xf32>,
    %swap3A_35 = vector.shape_cast %swap3A_34 : vector<16xf32> to vector<16xf32>
    %swap3A_36 = vector.shape_cast %broadcast_in_dim3A_32 : vector<16xf32> to vector<16xf32>
    tpu.vector_store %arg6[%swap3A_33], %swap3A_36 {strides = array<i32>} : memref<128xf32, #tpu.memory_space<vmem>>, vector<16xf32>,
    %broadcast_in_dim3A_37 = arith.constant 1.000000e+00 : f32
    %broadcast_in_dim3A_38 = vector.broadcast %broadcast_in_dim3A_37 : f32 to vector<16xf32>
    %swap3A_39 = arith.constant 96 : index
    %swap3A_40 = tpu.vector_load %arg6[%swap3A_39] {strides = array<i32>} : memref<128xf32, #tpu.memory_space<vmem>>, vector<16xf32>,
    %swap3A_41 = vector.shape_cast %swap3A_40 : vector<16xf32> to vector<16xf32>
    %swap3A_42 = vector.shape_cast %broadcast_in_dim3A_38 : vector<16xf32> to vector<16xf32>
    tpu.vector_store %arg6[%swap3A_39], %swap3A_42 {strides = array<i32>} : memref<128xf32, #tpu.memory_space<vmem>>, vector<16xf32>,
    %broadcast_in_dim3A_43 = arith.constant 1.000000e+00 : f32
    %broadcast_in_dim3A_44 = vector.broadcast %broadcast_in_dim3A_43 : f32 to vector<16xf32>
    %swap3A_45 = arith.constant 112 : index
    %swap3A_46 = tpu.vector_load %arg6[%swap3A_45] {strides = array<i32>} : memref<128xf32, #tpu.memory_space<vmem>>, vector<16xf32>,
    %swap3A_47 = vector.shape_cast %swap3A_46 : vector<16xf32> to vector<16xf32>
    %swap3A_48 = vector.shape_cast %broadcast_in_dim3A_44 : vector<16xf32> to vector<16xf32>
    tpu.vector_store %arg6[%swap3A_45], %swap3A_48 {strides = array<i32>} : memref<128xf32, #tpu.memory_space<vmem>>, vector<16xf32>,
    %barrier3A = arith.constant 0 : index
    tpu.barrier barrier_id(%barrier3A)
    %lt3A = arith.constant 8 : i32
    %lt3A_49 = arith.cmpi slt, %arg1, %lt3A : i32
    %jit3A = arith.constant 0 : i32
    %jit3A_50 = arith.constant 65536 : i32
    %select_n3A = arith.select %lt3A_49, %jit3A, %jit3A_50 : i32
    %scan3A = arith.constant 0 : i32
    %scan3A_51 = arith.constant 0 : i32
    %scan3A_52 = arith.constant 16 : i32
    %scan3A_53 = arith.addi %scan3A_51, %scan3A_52 : i32
    %scan3A_54 = arith.constant 1 : i32
    scf.for %scan3A_59 = %scan3A_51 to %scan3A_53 step %scan3A_54  : i32 {
      %mul3A_60 = arith.constant 16 : i32
      %mul3A_61 = arith.muli %scan3A_59, %mul3A_60 : i32
      %add3A_62 = arith.constant 0 : i32
      %add3A_63 = arith.addi %mul3A_61, %add3A_62 : i32
      %dma_start3A = arith.constant 0 : i32
      %dma_start3A_64 = tpu.memref_slice %arg5[%add3A_63, %dma_start3A] : memref<256x128xi32, #tpu.memory_space<vmem>> -> memref<1x128xi32, #tpu.memory_space<vmem>>
      %dma_start3A_65 = tpu.memref_squeeze %dma_start3A_64 : memref<1x128xi32, #tpu.memory_space<vmem>> -> memref<128xi32, #tpu.memory_space<vmem>>
      %dma_start3A_66 = tpu.memref_slice %arg7[%select_n3A] : memref<131072xf32, #tpu.memory_space<vmem_shared>> -> memref<65536xf32, #tpu.memory_space<vmem_shared>>
      %dma_start3A_67 = arith.constant 0 : i32
      %dma_start3A_68 = tpu.memref_slice %dma_start3A_66[%dma_start3A_67] : memref<65536xf32, #tpu.memory_space<vmem_shared>> -> memref<65536xf32, #tpu.memory_space<vmem_shared>>
      tpu.enqueue_indirect_dma source(%arg6 : memref<128xf32, #tpu.memory_space<vmem>>) target(%dma_start3A_68 : memref<65536xf32, #tpu.memory_space<vmem_shared>>) offsets(%dma_start3A_65 : memref<128xi32, #tpu.memory_space<vmem>>) semaphore(%arg8 : memref<!tpu.dma_semaphore, #tpu.memory_space<semaphore_mem>>) {add = true}
      %mul3A_69 = arith.constant 16 : i32
      %mul3A_70 = arith.muli %scan3A_59, %mul3A_69 : i32
      %add3A_71 = arith.constant 1 : i32
      %add3A_72 = arith.addi %mul3A_70, %add3A_71 : i32
      %dma_start3A_73 = arith.constant 0 : i32
      %dma_start3A_74 = tpu.memref_slice %arg5[%add3A_72, %dma_start3A_73] : memref<256x128xi32, #tpu.memory_space<vmem>> -> memref<1x128xi32, #tpu.memory_space<vmem>>
      %dma_start3A_75 = tpu.memref_squeeze %dma_start3A_74 : memref<1x128xi32, #tpu.memory_space<vmem>> -> memref<128xi32, #tpu.memory_space<vmem>>
      %dma_start3A_76 = tpu.memref_slice %arg7[%select_n3A] : memref<131072xf32, #tpu.memory_space<vmem_shared>> -> memref<65536xf32, #tpu.memory_space<vmem_shared>>
      %dma_start3A_77 = arith.constant 0 : i32
      %dma_start3A_78 = tpu.memref_slice %dma_start3A_76[%dma_start3A_77] : memref<65536xf32, #tpu.memory_space<vmem_shared>> -> memref<65536xf32, #tpu.memory_space<vmem_shared>>
      tpu.enqueue_indirect_dma source(%arg6 : memref<128xf32, #tpu.memory_space<vmem>>) target(%dma_start3A_78 : memref<65536xf32, #tpu.memory_space<vmem_shared>>) offsets(%dma_start3A_75 : memref<128xi32, #tpu.memory_space<vmem>>) semaphore(%arg8 : memref<!tpu.dma_semaphore, #tpu.memory_space<semaphore_mem>>) {add = true}
      %mul3A_79 = arith.constant 16 : i32
      %mul3A_80 = arith.muli %scan3A_59, %mul3A_79 : i32
      %add3A_81 = arith.constant 2 : i32
      %add3A_82 = arith.addi %mul3A_80, %add3A_81 : i32
      %dma_start3A_83 = arith.constant 0 : i32
      %dma_start3A_84 = tpu.memref_slice %arg5[%add3A_82, %dma_start3A_83] : memref<256x128xi32, #tpu.memory_space<vmem>> -> memref<1x128xi32, #tpu.memory_space<vmem>>
      %dma_start3A_85 = tpu.memref_squeeze %dma_start3A_84 : memref<1x128xi32, #tpu.memory_space<vmem>> -> memref<128xi32, #tpu.memory_space<vmem>>
      %dma_start3A_86 = tpu.memref_slice %arg7[%select_n3A] : memref<131072xf32, #tpu.memory_space<vmem_shared>> -> memref<65536xf32, #tpu.memory_space<vmem_shared>>
      %dma_start3A_87 = arith.constant 0 : i32
      %dma_start3A_88 = tpu.memref_slice %dma_start3A_86[%dma_start3A_87] : memref<65536xf32, #tpu.memory_space<vmem_shared>> -> memref<65536xf32, #tpu.memory_space<vmem_shared>>
      tpu.enqueue_indirect_dma source(%arg6 : memref<128xf32, #tpu.memory_space<vmem>>) target(%dma_start3A_88 : memref<65536xf32, #tpu.memory_space<vmem_shared>>) offsets(%dma_start3A_85 : memref<128xi32, #tpu.memory_space<vmem>>) semaphore(%arg8 : memref<!tpu.dma_semaphore, #tpu.memory_space<semaphore_mem>>) {add = true}
      %mul3A_89 = arith.constant 16 : i32
      %mul3A_90 = arith.muli %scan3A_59, %mul3A_89 : i32
      %add3A_91 = arith.constant 3 : i32
      %add3A_92 = arith.addi %mul3A_90, %add3A_91 : i32
      %dma_start3A_93 = arith.constant 0 : i32
      %dma_start3A_94 = tpu.memref_slice %arg5[%add3A_92, %dma_start3A_93] : memref<256x128xi32, #tpu.memory_space<vmem>> -> memref<1x128xi32, #tpu.memory_space<vmem>>
      %dma_start3A_95 = tpu.memref_squeeze %dma_start3A_94 : memref<1x128xi32, #tpu.memory_space<vmem>> -> memref<128xi32, #tpu.memory_space<vmem>>
      %dma_start3A_96 = tpu.memref_slice %arg7[%select_n3A] : memref<131072xf32, #tpu.memory_space<vmem_shared>> -> memref<65536xf32, #tpu.memory_space<vmem_shared>>
      %dma_start3A_97 = arith.constant 0 : i32
      %dma_start3A_98 = tpu.memref_slice %dma_start3A_96[%dma_start3A_97] : memref<65536xf32, #tpu.memory_space<vmem_shared>> -> memref<65536xf32, #tpu.memory_space<vmem_shared>>
      tpu.enqueue_indirect_dma source(%arg6 : memref<128xf32, #tpu.memory_space<vmem>>) target(%dma_start3A_98 : memref<65536xf32, #tpu.memory_space<vmem_shared>>) offsets(%dma_start3A_95 : memref<128xi32, #tpu.memory_space<vmem>>) semaphore(%arg8 : memref<!tpu.dma_semaphore, #tpu.memory_space<semaphore_mem>>) {add = true}
      %mul3A_99 = arith.constant 16 : i32
      %mul3A_100 = arith.muli %scan3A_59, %mul3A_99 : i32
      %add3A_101 = arith.constant 4 : i32
      %add3A_102 = arith.addi %mul3A_100, %add3A_101 : i32
      %dma_start3A_103 = arith.constant 0 : i32
      %dma_start3A_104 = tpu.memref_slice %arg5[%add3A_102, %dma_start3A_103] : memref<256x128xi32, #tpu.memory_space<vmem>> -> memref<1x128xi32, #tpu.memory_space<vmem>>
      %dma_start3A_105 = tpu.memref_squeeze %dma_start3A_104 : memref<1x128xi32, #tpu.memory_space<vmem>> -> memref<128xi32, #tpu.memory_space<vmem>>
      %dma_start3A_106 = tpu.memref_slice %arg7[%select_n3A] : memref<131072xf32, #tpu.memory_space<vmem_shared>> -> memref<65536xf32, #tpu.memory_space<vmem_shared>>
      %dma_start3A_107 = arith.constant 0 : i32
      %dma_start3A_108 = tpu.memref_slice %dma_start3A_106[%dma_start3A_107] : memref<65536xf32, #tpu.memory_space<vmem_shared>> -> memref<65536xf32, #tpu.memory_space<vmem_shared>>
      tpu.enqueue_indirect_dma source(%arg6 : memref<128xf32, #tpu.memory_space<vmem>>) target(%dma_start3A_108 : memref<65536xf32, #tpu.memory_space<vmem_shared>>) offsets(%dma_start3A_105 : memref<128xi32, #tpu.memory_space<vmem>>) semaphore(%arg8 : memref<!tpu.dma_semaphore, #tpu.memory_space<semaphore_mem>>) {add = true}
      %mul3A_109 = arith.constant 16 : i32
      %mul3A_110 = arith.muli %scan3A_59, %mul3A_109 : i32
      %add3A_111 = arith.constant 5 : i32
      %add3A_112 = arith.addi %mul3A_110, %add3A_111 : i32
      %dma_start3A_113 = arith.constant 0 : i32
      %dma_start3A_114 = tpu.memref_slice %arg5[%add3A_112, %dma_start3A_113] : memref<256x128xi32, #tpu.memory_space<vmem>> -> memref<1x128xi32, #tpu.memory_space<vmem>>
      %dma_start3A_115 = tpu.memref_squeeze %dma_start3A_114 : memref<1x128xi32, #tpu.memory_space<vmem>> -> memref<128xi32, #tpu.memory_space<vmem>>
      %dma_start3A_116 = tpu.memref_slice %arg7[%select_n3A] : memref<131072xf32, #tpu.memory_space<vmem_shared>> -> memref<65536xf32, #tpu.memory_space<vmem_shared>>
      %dma_start3A_117 = arith.constant 0 : i32
      %dma_start3A_118 = tpu.memref_slice %dma_start3A_116[%dma_start3A_117] : memref<65536xf32, #tpu.memory_space<vmem_shared>> -> memref<65536xf32, #tpu.memory_space<vmem_shared>>
      tpu.enqueue_indirect_dma source(%arg6 : memref<128xf32, #tpu.memory_space<vmem>>) target(%dma_start3A_118 : memref<65536xf32, #tpu.memory_space<vmem_shared>>) offsets(%dma_start3A_115 : memref<128xi32, #tpu.memory_space<vmem>>) semaphore(%arg8 : memref<!tpu.dma_semaphore, #tpu.memory_space<semaphore_mem>>) {add = true}
      %mul3A_119 = arith.constant 16 : i32
      %mul3A_120 = arith.muli %scan3A_59, %mul3A_119 : i32
      %add3A_121 = arith.constant 6 : i32
      %add3A_122 = arith.addi %mul3A_120, %add3A_121 : i32
      %dma_start3A_123 = arith.constant 0 : i32
      %dma_start3A_124 = tpu.memref_slice %arg5[%add3A_122, %dma_start3A_123] : memref<256x128xi32, #tpu.memory_space<vmem>> -> memref<1x128xi32, #tpu.memory_space<vmem>>
      %dma_start3A_125 = tpu.memref_squeeze %dma_start3A_124 : memref<1x128xi32, #tpu.memory_space<vmem>> -> memref<128xi32, #tpu.memory_space<vmem>>
      %dma_start3A_126 = tpu.memref_slice %arg7[%select_n3A] : memref<131072xf32, #tpu.memory_space<vmem_shared>> -> memref<65536xf32, #tpu.memory_space<vmem_shared>>
      %dma_start3A_127 = arith.constant 0 : i32
      %dma_start3A_128 = tpu.memref_slice %dma_start3A_126[%dma_start3A_127] : memref<65536xf32, #tpu.memory_space<vmem_shared>> -> memref<65536xf32, #tpu.memory_space<vmem_shared>>
      tpu.enqueue_indirect_dma source(%arg6 : memref<128xf32, #tpu.memory_space<vmem>>) target(%dma_start3A_128 : memref<65536xf32, #tpu.memory_space<vmem_shared>>) offsets(%dma_start3A_125 : memref<128xi32, #tpu.memory_space<vmem>>) semaphore(%arg8 : memref<!tpu.dma_semaphore, #tpu.memory_space<semaphore_mem>>) {add = true}
      %mul3A_129 = arith.constant 16 : i32
      %mul3A_130 = arith.muli %scan3A_59, %mul3A_129 : i32
      %add3A_131 = arith.constant 7 : i32
      %add3A_132 = arith.addi %mul3A_130, %add3A_131 : i32
      %dma_start3A_133 = arith.constant 0 : i32
      %dma_start3A_134 = tpu.memref_slice %arg5[%add3A_132, %dma_start3A_133] : memref<256x128xi32, #tpu.memory_space<vmem>> -> memref<1x128xi32, #tpu.memory_space<vmem>>
      %dma_start3A_135 = tpu.memref_squeeze %dma_start3A_134 : memref<1x128xi32, #tpu.memory_space<vmem>> -> memref<128xi32, #tpu.memory_space<vmem>>
      %dma_start3A_136 = tpu.memref_slice %arg7[%select_n3A] : memref<131072xf32, #tpu.memory_space<vmem_shared>> -> memref<65536xf32, #tpu.memory_space<vmem_shared>>
      %dma_start3A_137 = arith.constant 0 : i32
      %dma_start3A_138 = tpu.memref_slice %dma_start3A_136[%dma_start3A_137] : memref<65536xf32, #tpu.memory_space<vmem_shared>> -> memref<65536xf32, #tpu.memory_space<vmem_shared>>
      tpu.enqueue_indirect_dma source(%arg6 : memref<128xf32, #tpu.memory_space<vmem>>) target(%dma_start3A_138 : memref<65536xf32, #tpu.memory_space<vmem_shared>>) offsets(%dma_start3A_135 : memref<128xi32, #tpu.memory_space<vmem>>) semaphore(%arg8 : memref<!tpu.dma_semaphore, #tpu.memory_space<semaphore_mem>>) {add = true}
      %mul3A_139 = arith.constant 16 : i32
      %mul3A_140 = arith.muli %scan3A_59, %mul3A_139 : i32
      %add3A_141 = arith.constant 8 : i32
      %add3A_142 = arith.addi %mul3A_140, %add3A_141 : i32
      %dma_start3A_143 = arith.constant 0 : i32
      %dma_start3A_144 = tpu.memref_slice %arg5[%add3A_142, %dma_start3A_143] : memref<256x128xi32, #tpu.memory_space<vmem>> -> memref<1x128xi32, #tpu.memory_space<vmem>>
      %dma_start3A_145 = tpu.memref_squeeze %dma_start3A_144 : memref<1x128xi32, #tpu.memory_space<vmem>> -> memref<128xi32, #tpu.memory_space<vmem>>
      %dma_start3A_146 = tpu.memref_slice %arg7[%select_n3A] : memref<131072xf32, #tpu.memory_space<vmem_shared>> -> memref<65536xf32, #tpu.memory_space<vmem_shared>>
      %dma_start3A_147 = arith.constant 0 : i32
      %dma_start3A_148 = tpu.memref_slice %dma_start3A_146[%dma_start3A_147] : memref<65536xf32, #tpu.memory_space<vmem_shared>> -> memref<65536xf32, #tpu.memory_space<vmem_shared>>
      tpu.enqueue_indirect_dma source(%arg6 : memref<128xf32, #tpu.memory_space<vmem>>) target(%dma_start3A_148 : memref<65536xf32, #tpu.memory_space<vmem_shared>>) offsets(%dma_start3A_145 : memref<128xi32, #tpu.memory_space<vmem>>) semaphore(%arg8 : memref<!tpu.dma_semaphore, #tpu.memory_space<semaphore_mem>>) {add = true}
      %mul3A_149 = arith.constant 16 : i32
      %mul3A_150 = arith.muli %scan3A_59, %mul3A_149 : i32
      %add3A_151 = arith.constant 9 : i32
      %add3A_152 = arith.addi %mul3A_150, %add3A_151 : i32
      %dma_start3A_153 = arith.constant 0 : i32
      %dma_start3A_154 = tpu.memref_slice %arg5[%add3A_152, %dma_start3A_153] : memref<256x128xi32, #tpu.memory_space<vmem>> -> memref<1x128xi32, #tpu.memory_space<vmem>>
      %dma_start3A_155 = tpu.memref_squeeze %dma_start3A_154 : memref<1x128xi32, #tpu.memory_space<vmem>> -> memref<128xi32, #tpu.memory_space<vmem>>
      %dma_start3A_156 = tpu.memref_slice %arg7[%select_n3A] : memref<131072xf32, #tpu.memory_space<vmem_shared>> -> memref<65536xf32, #tpu.memory_space<vmem_shared>>
      %dma_start3A_157 = arith.constant 0 : i32
      %dma_start3A_158 = tpu.memref_slice %dma_start3A_156[%dma_start3A_157] : memref<65536xf32, #tpu.memory_space<vmem_shared>> -> memref<65536xf32, #tpu.memory_space<vmem_shared>>
      tpu.enqueue_indirect_dma source(%arg6 : memref<128xf32, #tpu.memory_space<vmem>>) target(%dma_start3A_158 : memref<65536xf32, #tpu.memory_space<vmem_shared>>) offsets(%dma_start3A_155 : memref<128xi32, #tpu.memory_space<vmem>>) semaphore(%arg8 : memref<!tpu.dma_semaphore, #tpu.memory_space<semaphore_mem>>) {add = true}
      %mul3A_159 = arith.constant 16 : i32
      %mul3A_160 = arith.muli %scan3A_59, %mul3A_159 : i32
      %add3A_161 = arith.constant 10 : i32
      %add3A_162 = arith.addi %mul3A_160, %add3A_161 : i32
      %dma_start3A_163 = arith.constant 0 : i32
      %dma_start3A_164 = tpu.memref_slice %arg5[%add3A_162, %dma_start3A_163] : memref<256x128xi32, #tpu.memory_space<vmem>> -> memref<1x128xi32, #tpu.memory_space<vmem>>
      %dma_start3A_165 = tpu.memref_squeeze %dma_start3A_164 : memref<1x128xi32, #tpu.memory_space<vmem>> -> memref<128xi32, #tpu.memory_space<vmem>>
      %dma_start3A_166 = tpu.memref_slice %arg7[%select_n3A] : memref<131072xf32, #tpu.memory_space<vmem_shared>> -> memref<65536xf32, #tpu.memory_space<vmem_shared>>
      %dma_start3A_167 = arith.constant 0 : i32
      %dma_start3A_168 = tpu.memref_slice %dma_start3A_166[%dma_start3A_167] : memref<65536xf32, #tpu.memory_space<vmem_shared>> -> memref<65536xf32, #tpu.memory_space<vmem_shared>>
      tpu.enqueue_indirect_dma source(%arg6 : memref<128xf32, #tpu.memory_space<vmem>>) target(%dma_start3A_168 : memref<65536xf32, #tpu.memory_space<vmem_shared>>) offsets(%dma_start3A_165 : memref<128xi32, #tpu.memory_space<vmem>>) semaphore(%arg8 : memref<!tpu.dma_semaphore, #tpu.memory_space<semaphore_mem>>) {add = true}
      %mul3A_169 = arith.constant 16 : i32
      %mul3A_170 = arith.muli %scan3A_59, %mul3A_169 : i32
      %add3A_171 = arith.constant 11 : i32
      %add3A_172 = arith.addi %mul3A_170, %add3A_171 : i32
      %dma_start3A_173 = arith.constant 0 : i32
      %dma_start3A_174 = tpu.memref_slice %arg5[%add3A_172, %dma_start3A_173] : memref<256x128xi32, #tpu.memory_space<vmem>> -> memref<1x128xi32, #tpu.memory_space<vmem>>
      %dma_start3A_175 = tpu.memref_squeeze %dma_start3A_174 : memref<1x128xi32, #tpu.memory_space<vmem>> -> memref<128xi32, #tpu.memory_space<vmem>>
      %dma_start3A_176 = tpu.memref_slice %arg7[%select_n3A] : memref<131072xf32, #tpu.memory_space<vmem_shared>> -> memref<65536xf32, #tpu.memory_space<vmem_shared>>
      %dma_start3A_177 = arith.constant 0 : i32
      %dma_start3A_178 = tpu.memref_slice %dma_start3A_176[%dma_start3A_177] : memref<65536xf32, #tpu.memory_space<vmem_shared>> -> memref<65536xf32, #tpu.memory_space<vmem_shared>>
      tpu.enqueue_indirect_dma source(%arg6 : memref<128xf32, #tpu.memory_space<vmem>>) target(%dma_start3A_178 : memref<65536xf32, #tpu.memory_space<vmem_shared>>) offsets(%dma_start3A_175 : memref<128xi32, #tpu.memory_space<vmem>>) semaphore(%arg8 : memref<!tpu.dma_semaphore, #tpu.memory_space<semaphore_mem>>) {add = true}
      %mul3A_179 = arith.constant 16 : i32
      %mul3A_180 = arith.muli %scan3A_59, %mul3A_179 : i32
      %add3A_181 = arith.constant 12 : i32
      %add3A_182 = arith.addi %mul3A_180, %add3A_181 : i32
      %dma_start3A_183 = arith.constant 0 : i32
      %dma_start3A_184 = tpu.memref_slice %arg5[%add3A_182, %dma_start3A_183] : memref<256x128xi32, #tpu.memory_space<vmem>> -> memref<1x128xi32, #tpu.memory_space<vmem>>
      %dma_start3A_185 = tpu.memref_squeeze %dma_start3A_184 : memref<1x128xi32, #tpu.memory_space<vmem>> -> memref<128xi32, #tpu.memory_space<vmem>>
      %dma_start3A_186 = tpu.memref_slice %arg7[%select_n3A] : memref<131072xf32, #tpu.memory_space<vmem_shared>> -> memref<65536xf32, #tpu.memory_space<vmem_shared>>
      %dma_start3A_187 = arith.constant 0 : i32
      %dma_start3A_188 = tpu.memref_slice %dma_start3A_186[%dma_start3A_187] : memref<65536xf32, #tpu.memory_space<vmem_shared>> -> memref<65536xf32, #tpu.memory_space<vmem_shared>>
      tpu.enqueue_indirect_dma source(%arg6 : memref<128xf32, #tpu.memory_space<vmem>>) target(%dma_start3A_188 : memref<65536xf32, #tpu.memory_space<vmem_shared>>) offsets(%dma_start3A_185 : memref<128xi32, #tpu.memory_space<vmem>>) semaphore(%arg8 : memref<!tpu.dma_semaphore, #tpu.memory_space<semaphore_mem>>) {add = true}
      %mul3A_189 = arith.constant 16 : i32
      %mul3A_190 = arith.muli %scan3A_59, %mul3A_189 : i32
      %add3A_191 = arith.constant 13 : i32
      %add3A_192 = arith.addi %mul3A_190, %add3A_191 : i32
      %dma_start3A_193 = arith.constant 0 : i32
      %dma_start3A_194 = tpu.memref_slice %arg5[%add3A_192, %dma_start3A_193] : memref<256x128xi32, #tpu.memory_space<vmem>> -> memref<1x128xi32, #tpu.memory_space<vmem>>
      %dma_start3A_195 = tpu.memref_squeeze %dma_start3A_194 : memref<1x128xi32, #tpu.memory_space<vmem>> -> memref<128xi32, #tpu.memory_space<vmem>>
      %dma_start3A_196 = tpu.memref_slice %arg7[%select_n3A] : memref<131072xf32, #tpu.memory_space<vmem_shared>> -> memref<65536xf32, #tpu.memory_space<vmem_shared>>
      %dma_start3A_197 = arith.constant 0 : i32
      %dma_start3A_198 = tpu.memref_slice %dma_start3A_196[%dma_start3A_197] : memref<65536xf32, #tpu.memory_space<vmem_shared>> -> memref<65536xf32, #tpu.memory_space<vmem_shared>>
      tpu.enqueue_indirect_dma source(%arg6 : memref<128xf32, #tpu.memory_space<vmem>>) target(%dma_start3A_198 : memref<65536xf32, #tpu.memory_space<vmem_shared>>) offsets(%dma_start3A_195 : memref<128xi32, #tpu.memory_space<vmem>>) semaphore(%arg8 : memref<!tpu.dma_semaphore, #tpu.memory_space<semaphore_mem>>) {add = true}
      %mul3A_199 = arith.constant 16 : i32
      %mul3A_200 = arith.muli %scan3A_59, %mul3A_199 : i32
      %add3A_201 = arith.constant 14 : i32
      %add3A_202 = arith.addi %mul3A_200, %add3A_201 : i32
      %dma_start3A_203 = arith.constant 0 : i32
      %dma_start3A_204 = tpu.memref_slice %arg5[%add3A_202, %dma_start3A_203] : memref<256x128xi32, #tpu.memory_space<vmem>> -> memref<1x128xi32, #tpu.memory_space<vmem>>
      %dma_start3A_205 = tpu.memref_squeeze %dma_start3A_204 : memref<1x128xi32, #tpu.memory_space<vmem>> -> memref<128xi32, #tpu.memory_space<vmem>>
      %dma_start3A_206 = tpu.memref_slice %arg7[%select_n3A] : memref<131072xf32, #tpu.memory_space<vmem_shared>> -> memref<65536xf32, #tpu.memory_space<vmem_shared>>
      %dma_start3A_207 = arith.constant 0 : i32
      %dma_start3A_208 = tpu.memref_slice %dma_start3A_206[%dma_start3A_207] : memref<65536xf32, #tpu.memory_space<vmem_shared>> -> memref<65536xf32, #tpu.memory_space<vmem_shared>>
      tpu.enqueue_indirect_dma source(%arg6 : memref<128xf32, #tpu.memory_space<vmem>>) target(%dma_start3A_208 : memref<65536xf32, #tpu.memory_space<vmem_shared>>) offsets(%dma_start3A_205 : memref<128xi32, #tpu.memory_space<vmem>>) semaphore(%arg8 : memref<!tpu.dma_semaphore, #tpu.memory_space<semaphore_mem>>) {add = true}
      %mul3A_209 = arith.constant 16 : i32
      %mul3A_210 = arith.muli %scan3A_59, %mul3A_209 : i32
      %add3A_211 = arith.constant 15 : i32
      %add3A_212 = arith.addi %mul3A_210, %add3A_211 : i32
      %dma_start3A_213 = arith.constant 0 : i32
      %dma_start3A_214 = tpu.memref_slice %arg5[%add3A_212, %dma_start3A_213] : memref<256x128xi32, #tpu.memory_space<vmem>> -> memref<1x128xi32, #tpu.memory_space<vmem>>
      %dma_start3A_215 = tpu.memref_squeeze %dma_start3A_214 : memref<1x128xi32, #tpu.memory_space<vmem>> -> memref<128xi32, #tpu.memory_space<vmem>>
      %dma_start3A_216 = tpu.memref_slice %arg7[%select_n3A] : memref<131072xf32, #tpu.memory_space<vmem_shared>> -> memref<65536xf32, #tpu.memory_space<vmem_shared>>
      %dma_start3A_217 = arith.constant 0 : i32
      %dma_start3A_218 = tpu.memref_slice %dma_start3A_216[%dma_start3A_217] : memref<65536xf32, #tpu.memory_space<vmem_shared>> -> memref<65536xf32, #tpu.memory_space<vmem_shared>>
      tpu.enqueue_indirect_dma source(%arg6 : memref<128xf32, #tpu.memory_space<vmem>>) target(%dma_start3A_218 : memref<65536xf32, #tpu.memory_space<vmem_shared>>) offsets(%dma_start3A_215 : memref<128xi32, #tpu.memory_space<vmem>>) semaphore(%arg8 : memref<!tpu.dma_semaphore, #tpu.memory_space<semaphore_mem>>) {add = true}
      %dma_wait3A = arith.constant 0 : i32
      %dma_wait3A_219 = tpu.memref_slice %arg5[%add3A_63, %dma_wait3A] : memref<256x128xi32, #tpu.memory_space<vmem>> -> memref<1x128xi32, #tpu.memory_space<vmem>>
      %dma_wait3A_220 = tpu.memref_squeeze %dma_wait3A_219 : memref<1x128xi32, #tpu.memory_space<vmem>> -> memref<128xi32, #tpu.memory_space<vmem>>
      %dma_wait3A_221 = tpu.memref_slice %arg7[%select_n3A] : memref<131072xf32, #tpu.memory_space<vmem_shared>> -> memref<65536xf32, #tpu.memory_space<vmem_shared>>
      %dma_wait3A_222 = arith.constant 0 : i32
      %dma_wait3A_223 = tpu.memref_slice %dma_wait3A_221[%dma_wait3A_222] : memref<65536xf32, #tpu.memory_space<vmem_shared>> -> memref<65536xf32, #tpu.memory_space<vmem_shared>>
      tpu.wait_indirect_dma semaphore(%arg8 : memref<!tpu.dma_semaphore, #tpu.memory_space<semaphore_mem>>) src(%arg6 : memref<128xf32, #tpu.memory_space<vmem>>) dst(%dma_wait3A_223 : memref<65536xf32, #tpu.memory_space<vmem_shared>>)
      %dma_wait3A_224 = arith.constant 0 : i32
      %dma_wait3A_225 = tpu.memref_slice %arg5[%add3A_72, %dma_wait3A_224] : memref<256x128xi32, #tpu.memory_space<vmem>> -> memref<1x128xi32, #tpu.memory_space<vmem>>
      %dma_wait3A_226 = tpu.memref_squeeze %dma_wait3A_225 : memref<1x128xi32, #tpu.memory_space<vmem>> -> memref<128xi32, #tpu.memory_space<vmem>>
      %dma_wait3A_227 = tpu.memref_slice %arg7[%select_n3A] : memref<131072xf32, #tpu.memory_space<vmem_shared>> -> memref<65536xf32, #tpu.memory_space<vmem_shared>>
      %dma_wait3A_228 = arith.constant 0 : i32
      %dma_wait3A_229 = tpu.memref_slice %dma_wait3A_227[%dma_wait3A_228] : memref<65536xf32, #tpu.memory_space<vmem_shared>> -> memref<65536xf32, #tpu.memory_space<vmem_shared>>
      tpu.wait_indirect_dma semaphore(%arg8 : memref<!tpu.dma_semaphore, #tpu.memory_space<semaphore_mem>>) src(%arg6 : memref<128xf32, #tpu.memory_space<vmem>>) dst(%dma_wait3A_229 : memref<65536xf32, #tpu.memory_space<vmem_shared>>)
      %dma_wait3A_230 = arith.constant 0 : i32
      %dma_wait3A_231 = tpu.memref_slice %arg5[%add3A_82, %dma_wait3A_230] : memref<256x128xi32, #tpu.memory_space<vmem>> -> memref<1x128xi32, #tpu.memory_space<vmem>>
      %dma_wait3A_232 = tpu.memref_squeeze %dma_wait3A_231 : memref<1x128xi32, #tpu.memory_space<vmem>> -> memref<128xi32, #tpu.memory_space<vmem>>
      %dma_wait3A_233 = tpu.memref_slice %arg7[%select_n3A] : memref<131072xf32, #tpu.memory_space<vmem_shared>> -> memref<65536xf32, #tpu.memory_space<vmem_shared>>
      %dma_wait3A_234 = arith.constant 0 : i32
      %dma_wait3A_235 = tpu.memref_slice %dma_wait3A_233[%dma_wait3A_234] : memref<65536xf32, #tpu.memory_space<vmem_shared>> -> memref<65536xf32, #tpu.memory_space<vmem_shared>>
      tpu.wait_indirect_dma semaphore(%arg8 : memref<!tpu.dma_semaphore, #tpu.memory_space<semaphore_mem>>) src(%arg6 : memref<128xf32, #tpu.memory_space<vmem>>) dst(%dma_wait3A_235 : memref<65536xf32, #tpu.memory_space<vmem_shared>>)
      %dma_wait3A_236 = arith.constant 0 : i32
      %dma_wait3A_237 = tpu.memref_slice %arg5[%add3A_92, %dma_wait3A_236] : memref<256x128xi32, #tpu.memory_space<vmem>> -> memref<1x128xi32, #tpu.memory_space<vmem>>
      %dma_wait3A_238 = tpu.memref_squeeze %dma_wait3A_237 : memref<1x128xi32, #tpu.memory_space<vmem>> -> memref<128xi32, #tpu.memory_space<vmem>>
      %dma_wait3A_239 = tpu.memref_slice %arg7[%select_n3A] : memref<131072xf32, #tpu.memory_space<vmem_shared>> -> memref<65536xf32, #tpu.memory_space<vmem_shared>>
      %dma_wait3A_240 = arith.constant 0 : i32
      %dma_wait3A_241 = tpu.memref_slice %dma_wait3A_239[%dma_wait3A_240] : memref<65536xf32, #tpu.memory_space<vmem_shared>> -> memref<65536xf32, #tpu.memory_space<vmem_shared>>
      tpu.wait_indirect_dma semaphore(%arg8 : memref<!tpu.dma_semaphore, #tpu.memory_space<semaphore_mem>>) src(%arg6 : memref<128xf32, #tpu.memory_space<vmem>>) dst(%dma_wait3A_241 : memref<65536xf32, #tpu.memory_space<vmem_shared>>)
      %dma_wait3A_242 = arith.constant 0 : i32
      %dma_wait3A_243 = tpu.memref_slice %arg5[%add3A_102, %dma_wait3A_242] : memref<256x128xi32, #tpu.memory_space<vmem>> -> memref<1x128xi32, #tpu.memory_space<vmem>>
      %dma_wait3A_244 = tpu.memref_squeeze %dma_wait3A_243 : memref<1x128xi32, #tpu.memory_space<vmem>> -> memref<128xi32, #tpu.memory_space<vmem>>
      %dma_wait3A_245 = tpu.memref_slice %arg7[%select_n3A] : memref<131072xf32, #tpu.memory_space<vmem_shared>> -> memref<65536xf32, #tpu.memory_space<vmem_shared>>
      %dma_wait3A_246 = arith.constant 0 : i32
      %dma_wait3A_247 = tpu.memref_slice %dma_wait3A_245[%dma_wait3A_246] : memref<65536xf32, #tpu.memory_space<vmem_shared>> -> memref<65536xf32, #tpu.memory_space<vmem_shared>>
      tpu.wait_indirect_dma semaphore(%arg8 : memref<!tpu.dma_semaphore, #tpu.memory_space<semaphore_mem>>) src(%arg6 : memref<128xf32, #tpu.memory_space<vmem>>) dst(%dma_wait3A_247 : memref<65536xf32, #tpu.memory_space<vmem_shared>>)
      %dma_wait3A_248 = arith.constant 0 : i32
      %dma_wait3A_249 = tpu.memref_slice %arg5[%add3A_112, %dma_wait3A_248] : memref<256x128xi32, #tpu.memory_space<vmem>> -> memref<1x128xi32, #tpu.memory_space<vmem>>
      %dma_wait3A_250 = tpu.memref_squeeze %dma_wait3A_249 : memref<1x128xi32, #tpu.memory_space<vmem>> -> memref<128xi32, #tpu.memory_space<vmem>>
      %dma_wait3A_251 = tpu.memref_slice %arg7[%select_n3A] : memref<131072xf32, #tpu.memory_space<vmem_shared>> -> memref<65536xf32, #tpu.memory_space<vmem_shared>>
      %dma_wait3A_252 = arith.constant 0 : i32
      %dma_wait3A_253 = tpu.memref_slice %dma_wait3A_251[%dma_wait3A_252] : memref<65536xf32, #tpu.memory_space<vmem_shared>> -> memref<65536xf32, #tpu.memory_space<vmem_shared>>
      tpu.wait_indirect_dma semaphore(%arg8 : memref<!tpu.dma_semaphore, #tpu.memory_space<semaphore_mem>>) src(%arg6 : memref<128xf32, #tpu.memory_space<vmem>>) dst(%dma_wait3A_253 : memref<65536xf32, #tpu.memory_space<vmem_shared>>)
      %dma_wait3A_254 = arith.constant 0 : i32
      %dma_wait3A_255 = tpu.memref_slice %arg5[%add3A_122, %dma_wait3A_254] : memref<256x128xi32, #tpu.memory_space<vmem>> -> memref<1x128xi32, #tpu.memory_space<vmem>>
      %dma_wait3A_256 = tpu.memref_squeeze %dma_wait3A_255 : memref<1x128xi32, #tpu.memory_space<vmem>> -> memref<128xi32, #tpu.memory_space<vmem>>
      %dma_wait3A_257 = tpu.memref_slice %arg7[%select_n3A] : memref<131072xf32, #tpu.memory_space<vmem_shared>> -> memref<65536xf32, #tpu.memory_space<vmem_shared>>
      %dma_wait3A_258 = arith.constant 0 : i32
      %dma_wait3A_259 = tpu.memref_slice %dma_wait3A_257[%dma_wait3A_258] : memref<65536xf32, #tpu.memory_space<vmem_shared>> -> memref<65536xf32, #tpu.memory_space<vmem_shared>>
      tpu.wait_indirect_dma semaphore(%arg8 : memref<!tpu.dma_semaphore, #tpu.memory_space<semaphore_mem>>) src(%arg6 : memref<128xf32, #tpu.memory_space<vmem>>) dst(%dma_wait3A_259 : memref<65536xf32, #tpu.memory_space<vmem_shared>>)
      %dma_wait3A_260 = arith.constant 0 : i32
      %dma_wait3A_261 = tpu.memref_slice %arg5[%add3A_132, %dma_wait3A_260] : memref<256x128xi32, #tpu.memory_space<vmem>> -> memref<1x128xi32, #tpu.memory_space<vmem>>
      %dma_wait3A_262 = tpu.memref_squeeze %dma_wait3A_261 : memref<1x128xi32, #tpu.memory_space<vmem>> -> memref<128xi32, #tpu.memory_space<vmem>>
      %dma_wait3A_263 = tpu.memref_slice %arg7[%select_n3A] : memref<131072xf32, #tpu.memory_space<vmem_shared>> -> memref<65536xf32, #tpu.memory_space<vmem_shared>>
      %dma_wait3A_264 = arith.constant 0 : i32
      %dma_wait3A_265 = tpu.memref_slice %dma_wait3A_263[%dma_wait3A_264] : memref<65536xf32, #tpu.memory_space<vmem_shared>> -> memref<65536xf32, #tpu.memory_space<vmem_shared>>
      tpu.wait_indirect_dma semaphore(%arg8 : memref<!tpu.dma_semaphore, #tpu.memory_space<semaphore_mem>>) src(%arg6 : memref<128xf32, #tpu.memory_space<vmem>>) dst(%dma_wait3A_265 : memref<65536xf32, #tpu.memory_space<vmem_shared>>)
      %dma_wait3A_266 = arith.constant 0 : i32
      %dma_wait3A_267 = tpu.memref_slice %arg5[%add3A_142, %dma_wait3A_266] : memref<256x128xi32, #tpu.memory_space<vmem>> -> memref<1x128xi32, #tpu.memory_space<vmem>>
      %dma_wait3A_268 = tpu.memref_squeeze %dma_wait3A_267 : memref<1x128xi32, #tpu.memory_space<vmem>> -> memref<128xi32, #tpu.memory_space<vmem>>
      %dma_wait3A_269 = tpu.memref_slice %arg7[%select_n3A] : memref<131072xf32, #tpu.memory_space<vmem_shared>> -> memref<65536xf32, #tpu.memory_space<vmem_shared>>
      %dma_wait3A_270 = arith.constant 0 : i32
      %dma_wait3A_271 = tpu.memref_slice %dma_wait3A_269[%dma_wait3A_270] : memref<65536xf32, #tpu.memory_space<vmem_shared>> -> memref<65536xf32, #tpu.memory_space<vmem_shared>>
      tpu.wait_indirect_dma semaphore(%arg8 : memref<!tpu.dma_semaphore, #tpu.memory_space<semaphore_mem>>) src(%arg6 : memref<128xf32, #tpu.memory_space<vmem>>) dst(%dma_wait3A_271 : memref<65536xf32, #tpu.memory_space<vmem_shared>>)
      %dma_wait3A_272 = arith.constant 0 : i32
      %dma_wait3A_273 = tpu.memref_slice %arg5[%add3A_152, %dma_wait3A_272] : memref<256x128xi32, #tpu.memory_space<vmem>> -> memref<1x128xi32, #tpu.memory_space<vmem>>
      %dma_wait3A_274 = tpu.memref_squeeze %dma_wait3A_273 : memref<1x128xi32, #tpu.memory_space<vmem>> -> memref<128xi32, #tpu.memory_space<vmem>>
      %dma_wait3A_275 = tpu.memref_slice %arg7[%select_n3A] : memref<131072xf32, #tpu.memory_space<vmem_shared>> -> memref<65536xf32, #tpu.memory_space<vmem_shared>>
      %dma_wait3A_276 = arith.constant 0 : i32
      %dma_wait3A_277 = tpu.memref_slice %dma_wait3A_275[%dma_wait3A_276] : memref<65536xf32, #tpu.memory_space<vmem_shared>> -> memref<65536xf32, #tpu.memory_space<vmem_shared>>
      tpu.wait_indirect_dma semaphore(%arg8 : memref<!tpu.dma_semaphore, #tpu.memory_space<semaphore_mem>>) src(%arg6 : memref<128xf32, #tpu.memory_space<vmem>>) dst(%dma_wait3A_277 : memref<65536xf32, #tpu.memory_space<vmem_shared>>)
      %dma_wait3A_278 = arith.constant 0 : i32
      %dma_wait3A_279 = tpu.memref_slice %arg5[%add3A_162, %dma_wait3A_278] : memref<256x128xi32, #tpu.memory_space<vmem>> -> memref<1x128xi32, #tpu.memory_space<vmem>>
      %dma_wait3A_280 = tpu.memref_squeeze %dma_wait3A_279 : memref<1x128xi32, #tpu.memory_space<vmem>> -> memref<128xi32, #tpu.memory_space<vmem>>
      %dma_wait3A_281 = tpu.memref_slice %arg7[%select_n3A] : memref<131072xf32, #tpu.memory_space<vmem_shared>> -> memref<65536xf32, #tpu.memory_space<vmem_shared>>
      %dma_wait3A_282 = arith.constant 0 : i32
      %dma_wait3A_283 = tpu.memref_slice %dma_wait3A_281[%dma_wait3A_282] : memref<65536xf32, #tpu.memory_space<vmem_shared>> -> memref<65536xf32, #tpu.memory_space<vmem_shared>>
      tpu.wait_indirect_dma semaphore(%arg8 : memref<!tpu.dma_semaphore, #tpu.memory_space<semaphore_mem>>) src(%arg6 : memref<128xf32, #tpu.memory_space<vmem>>) dst(%dma_wait3A_283 : memref<65536xf32, #tpu.memory_space<vmem_shared>>)
      %dma_wait3A_284 = arith.constant 0 : i32
      %dma_wait3A_285 = tpu.memref_slice %arg5[%add3A_172, %dma_wait3A_284] : memref<256x128xi32, #tpu.memory_space<vmem>> -> memref<1x128xi32, #tpu.memory_space<vmem>>
      %dma_wait3A_286 = tpu.memref_squeeze %dma_wait3A_285 : memref<1x128xi32, #tpu.memory_space<vmem>> -> memref<128xi32, #tpu.memory_space<vmem>>
      %dma_wait3A_287 = tpu.memref_slice %arg7[%select_n3A] : memref<131072xf32, #tpu.memory_space<vmem_shared>> -> memref<65536xf32, #tpu.memory_space<vmem_shared>>
      %dma_wait3A_288 = arith.constant 0 : i32
      %dma_wait3A_289 = tpu.memref_slice %dma_wait3A_287[%dma_wait3A_288] : memref<65536xf32, #tpu.memory_space<vmem_shared>> -> memref<65536xf32, #tpu.memory_space<vmem_shared>>
      tpu.wait_indirect_dma semaphore(%arg8 : memref<!tpu.dma_semaphore, #tpu.memory_space<semaphore_mem>>) src(%arg6 : memref<128xf32, #tpu.memory_space<vmem>>) dst(%dma_wait3A_289 : memref<65536xf32, #tpu.memory_space<vmem_shared>>)
      %dma_wait3A_290 = arith.constant 0 : i32
      %dma_wait3A_291 = tpu.memref_slice %arg5[%add3A_182, %dma_wait3A_290] : memref<256x128xi32, #tpu.memory_space<vmem>> -> memref<1x128xi32, #tpu.memory_space<vmem>>
      %dma_wait3A_292 = tpu.memref_squeeze %dma_wait3A_291 : memref<1x128xi32, #tpu.memory_space<vmem>> -> memref<128xi32, #tpu.memory_space<vmem>>
      %dma_wait3A_293 = tpu.memref_slice %arg7[%select_n3A] : memref<131072xf32, #tpu.memory_space<vmem_shared>> -> memref<65536xf32, #tpu.memory_space<vmem_shared>>
      %dma_wait3A_294 = arith.constant 0 : i32
      %dma_wait3A_295 = tpu.memref_slice %dma_wait3A_293[%dma_wait3A_294] : memref<65536xf32, #tpu.memory_space<vmem_shared>> -> memref<65536xf32, #tpu.memory_space<vmem_shared>>
      tpu.wait_indirect_dma semaphore(%arg8 : memref<!tpu.dma_semaphore, #tpu.memory_space<semaphore_mem>>) src(%arg6 : memref<128xf32, #tpu.memory_space<vmem>>) dst(%dma_wait3A_295 : memref<65536xf32, #tpu.memory_space<vmem_shared>>)
      %dma_wait3A_296 = arith.constant 0 : i32
      %dma_wait3A_297 = tpu.memref_slice %arg5[%add3A_192, %dma_wait3A_296] : memref<256x128xi32, #tpu.memory_space<vmem>> -> memref<1x128xi32, #tpu.memory_space<vmem>>
      %dma_wait3A_298 = tpu.memref_squeeze %dma_wait3A_297 : memref<1x128xi32, #tpu.memory_space<vmem>> -> memref<128xi32, #tpu.memory_space<vmem>>
      %dma_wait3A_299 = tpu.memref_slice %arg7[%select_n3A] : memref<131072xf32, #tpu.memory_space<vmem_shared>> -> memref<65536xf32, #tpu.memory_space<vmem_shared>>
      %dma_wait3A_300 = arith.constant 0 : i32
      %dma_wait3A_301 = tpu.memref_slice %dma_wait3A_299[%dma_wait3A_300] : memref<65536xf32, #tpu.memory_space<vmem_shared>> -> memref<65536xf32, #tpu.memory_space<vmem_shared>>
      tpu.wait_indirect_dma semaphore(%arg8 : memref<!tpu.dma_semaphore, #tpu.memory_space<semaphore_mem>>) src(%arg6 : memref<128xf32, #tpu.memory_space<vmem>>) dst(%dma_wait3A_301 : memref<65536xf32, #tpu.memory_space<vmem_shared>>)
      %dma_wait3A_302 = arith.constant 0 : i32
      %dma_wait3A_303 = tpu.memref_slice %arg5[%add3A_202, %dma_wait3A_302] : memref<256x128xi32, #tpu.memory_space<vmem>> -> memref<1x128xi32, #tpu.memory_space<vmem>>
      %dma_wait3A_304 = tpu.memref_squeeze %dma_wait3A_303 : memref<1x128xi32, #tpu.memory_space<vmem>> -> memref<128xi32, #tpu.memory_space<vmem>>
      %dma_wait3A_305 = tpu.memref_slice %arg7[%select_n3A] : memref<131072xf32, #tpu.memory_space<vmem_shared>> -> memref<65536xf32, #tpu.memory_space<vmem_shared>>
      %dma_wait3A_306 = arith.constant 0 : i32
      %dma_wait3A_307 = tpu.memref_slice %dma_wait3A_305[%dma_wait3A_306] : memref<65536xf32, #tpu.memory_space<vmem_shared>> -> memref<65536xf32, #tpu.memory_space<vmem_shared>>
      tpu.wait_indirect_dma semaphore(%arg8 : memref<!tpu.dma_semaphore, #tpu.memory_space<semaphore_mem>>) src(%arg6 : memref<128xf32, #tpu.memory_space<vmem>>) dst(%dma_wait3A_307 : memref<65536xf32, #tpu.memory_space<vmem_shared>>)
      %dma_wait3A_308 = arith.constant 0 : i32
      %dma_wait3A_309 = tpu.memref_slice %arg5[%add3A_212, %dma_wait3A_308] : memref<256x128xi32, #tpu.memory_space<vmem>> -> memref<1x128xi32, #tpu.memory_space<vmem>>
      %dma_wait3A_310 = tpu.memref_squeeze %dma_wait3A_309 : memref<1x128xi32, #tpu.memory_space<vmem>> -> memref<128xi32, #tpu.memory_space<vmem>>
      %dma_wait3A_311 = tpu.memref_slice %arg7[%select_n3A] : memref<131072xf32, #tpu.memory_space<vmem_shared>> -> memref<65536xf32, #tpu.memory_space<vmem_shared>>
      %dma_wait3A_312 = arith.constant 0 : i32
      %dma_wait3A_313 = tpu.memref_slice %dma_wait3A_311[%dma_wait3A_312] : memref<65536xf32, #tpu.memory_space<vmem_shared>> -> memref<65536xf32, #tpu.memory_space<vmem_shared>>
      tpu.wait_indirect_dma semaphore(%arg8 : memref<!tpu.dma_semaphore, #tpu.memory_space<semaphore_mem>>) src(%arg6 : memref<128xf32, #tpu.memory_space<vmem>>) dst(%dma_wait3A_313 : memref<65536xf32, #tpu.memory_space<vmem_shared>>)
    }
    %scan3A_55 = arith.constant 16 : i32
    %barrier3A_56 = arith.constant 0 : index
    tpu.barrier barrier_id(%barrier3A_56)
    %mul3A_57 = arith.constant 8192 : i32
    %mul3A_58 = arith.muli %arg1, %mul3A_57 : i32
    "tpu.region"() ({
      %run_scoped3A = tpu.sem_alloc : memref<!tpu.dma_semaphore, #tpu.memory_space<semaphore_mem>>
      %dma_start3A = arith.constant 0 : i32
      %dma_start3A_59 = tpu.memref_slice %arg4[%arg0, %arg1, %dma_start3A] : memref<2x16x8192xf32, #tpu.memory_space<hbm>> -> memref<1x1x8192xf32, #tpu.memory_space<hbm>>
      %dma_start3A_60 = tpu.memref_squeeze %dma_start3A_59 : memref<1x1x8192xf32, #tpu.memory_space<hbm>> -> memref<8192xf32, #tpu.memory_space<hbm>>
      %dma_start3A_61 = tpu.memref_slice %arg7[%mul3A_58] : memref<131072xf32, #tpu.memory_space<vmem_shared>> -> memref<8192xf32, #tpu.memory_space<vmem_shared>>
      tpu.enqueue_dma source(%dma_start3A_61 : memref<8192xf32, #tpu.memory_space<vmem_shared>>) target(%dma_start3A_60 : memref<8192xf32, #tpu.memory_space<hbm>>) target_semaphore(%run_scoped3A : memref<!tpu.dma_semaphore, #tpu.memory_space<semaphore_mem>>)
      %dma_wait3A = arith.constant 0 : i32
      %dma_wait3A_62 = tpu.memref_slice %arg4[%arg0, %arg1, %dma_wait3A] : memref<2x16x8192xf32, #tpu.memory_space<hbm>> -> memref<1x1x8192xf32, #tpu.memory_space<hbm>>
      %dma_wait3A_63 = tpu.memref_squeeze %dma_wait3A_62 : memref<1x1x8192xf32, #tpu.memory_space<hbm>> -> memref<8192xf32, #tpu.memory_space<hbm>>
      %dma_wait3A_64 = tpu.memref_slice %arg7[%mul3A_58] : memref<131072xf32, #tpu.memory_space<vmem_shared>> -> memref<8192xf32, #tpu.memory_space<vmem_shared>>
      tpu.wait_dma2 semaphore(%run_scoped3A : memref<!tpu.dma_semaphore, #tpu.memory_space<semaphore_mem>>) src(%dma_wait3A_64 : memref<8192xf32, #tpu.memory_space<vmem_shared>>) dst(%dma_wait3A_63 : memref<8192xf32, #tpu.memory_space<hbm>>)
      tpu.yield
    }) : () -> ()
    return
  }
}

module attributes {stable_mosaic.version = 14 : i64} {
  func.func @_features_body(%arg0: memref<2x16x8192xf32, #tpu.memory_space<vmem>>, %arg1: memref<1x1xf32, #tpu.memory_space<smem>>) attributes {dimension_semantics = [], scalar_prefetch = 0 : i64, scratch_operands = 0 : i64, tpu.core_type = #tpu.core_type<tc>} {
    %get3A = arith.constant 0 : index
    %get3A_0 = arith.constant 0 : index
    %get3A_1 = arith.constant 0 : index
    %get3A_2 = vector.load %arg0[%get3A, %get3A_0, %get3A_1] : memref<2x16x8192xf32, #tpu.memory_space<vmem>>, vector<2x16x8192xf32>
    %reshape3A = vector.shape_cast %get3A_2 : vector<2x16x8192xf32> to vector<4x256x256xf32>
    %iota3A = tpu.iota {dimensions = array<i32: 0>} : vector<256x256xi32>
    %convert_element_type3A = arith.sitofp %iota3A : vector<256x256xi32> to vector<256x256xf32>
    %iota3A_3 = tpu.iota {dimensions = array<i32: 1>} : vector<256x256xi32>
    %convert_element_type3A_4 = arith.sitofp %iota3A_3 : vector<256x256xi32> to vector<256x256xf32>
    %eq3A = arith.constant 0.000000e+00 : f32
    %eq3A_5 = vector.broadcast %eq3A : f32 to vector<256x256xf32>
    %eq3A_6 = arith.cmpf oeq, %convert_element_type3A, %eq3A_5 : vector<256x256xf32>
    %eq3A_7 = arith.constant 0.000000e+00 : f32
    %eq3A_8 = vector.broadcast %eq3A_7 : f32 to vector<256x256xf32>
    %eq3A_9 = arith.cmpf oeq, %convert_element_type3A_4, %eq3A_8 : vector<256x256xf32>
    %and3A = arith.andi %eq3A_6, %eq3A_9 : vector<256x256xi1>
    %jit3A = arith.constant 5.120000e+02 : f32
    %jit3A_10 = arith.constant 0.000000e+00 : f32
    %broadcast_in_dim3A = vector.broadcast %jit3A : f32 to vector<256x256xf32>
    %broadcast_in_dim3A_11 = vector.broadcast %jit3A_10 : f32 to vector<256x256xf32>
    %select_n3A = arith.select %and3A, %broadcast_in_dim3A, %broadcast_in_dim3A_11 : vector<256x256xi1>, vector<256x256xf32>
    %iota3A_12 = tpu.iota {dimensions = array<i32: 1>} : vector<1x256xi32>
    %convert_element_type3A_13 = arith.sitofp %iota3A_12 : vector<1x256xi32> to vector<1x256xf32>
    %slice3A = vector.extract_strided_slice %reshape3A {offsets = [0, 0, 0], sizes = [1, 256, 256], strides = [1, 1, 1]} : vector<4x256x256xf32> to vector<1x256x256xf32>
    %squeeze3A = vector.shape_cast %slice3A : vector<1x256x256xf32> to vector<256x256xf32>
    %sub3A = arith.subf %squeeze3A, %select_n3A : vector<256x256xf32>
    %transpose3A = tpu.transpose %sub3A, [1, 0] : vector<256x256xf32> -> vector<256x256xf32>
    %add3A = arith.addf %sub3A, %transpose3A : vector<256x256xf32>
    %reduce_sum3A = vector.shape_cast %add3A : vector<256x256xf32> to vector<1x256x256xf32>
    %reduce_sum3A_14 = arith.constant dense<0.000000e+00> : vector<1xf32>
    %reduce_sum3A_15 = vector.multi_reduction <add>, %reduce_sum3A, %reduce_sum3A_14 [1, 2] : vector<1x256x256xf32> to vector<1xf32>
    %reduce_sum3A_16 = vector.shape_cast %reduce_sum3A_15 : vector<1xf32> to vector<1x1x1xf32>
    %reduce_sum3A_17 = vector.extract %reduce_sum3A_16[0, 0, 0] : f32 from vector<1x1x1xf32>
    %div3A = vector.broadcast %reduce_sum3A_17 : f32 to vector<256x256xf32>
    %div3A_18 = arith.divf %add3A, %div3A : vector<256x256xf32>
    %mul3A = arith.mulf %div3A_18, %div3A_18 : vector<256x256xf32>
    %reduce_sum3A_19 = vector.shape_cast %mul3A : vector<256x256xf32> to vector<1x256x256xf32>
    %reduce_sum3A_20 = arith.constant dense<0.000000e+00> : vector<1xf32>
    %reduce_sum3A_21 = vector.multi_reduction <add>, %reduce_sum3A_19, %reduce_sum3A_20 [1, 2] : vector<1x256x256xf32> to vector<1xf32>
    %reduce_sum3A_22 = vector.shape_cast %reduce_sum3A_21 : vector<1xf32> to vector<1x1x1xf32>
    %reduce_sum3A_23 = vector.extract %reduce_sum3A_22[0, 0, 0] : f32 from vector<1x1x1xf32>
    %reduce_sum3A_24 = arith.constant dense<0.000000e+00> : vector<256xf32>
    %reduce_sum3A_25 = vector.multi_reduction <add>, %div3A_18, %reduce_sum3A_24 [1] : vector<256x256xf32> to vector<256xf32>
    %reshape3A_26 = vector.shape_cast %reduce_sum3A_25 : vector<256xf32> to vector<1x256xf32>
    %reduce_sum3A_27 = arith.constant dense<0.000000e+00> : vector<256xf32>
    %reduce_sum3A_28 = vector.multi_reduction <add>, %div3A_18, %reduce_sum3A_27 [0] : vector<256x256xf32> to vector<256xf32>
    %reshape3A_29 = vector.shape_cast %reduce_sum3A_28 : vector<256xf32> to vector<1x256xf32>
    %mul3A_30 = arith.mulf %convert_element_type3A_13, %reshape3A_26 : vector<1x256xf32>
    %reduce_sum3A_31 = vector.shape_cast %mul3A_30 : vector<1x256xf32> to vector<1x1x256xf32>
    %reduce_sum3A_32 = arith.constant dense<0.000000e+00> : vector<1xf32>
    %reduce_sum3A_33 = vector.multi_reduction <add>, %reduce_sum3A_31, %reduce_sum3A_32 [1, 2] : vector<1x1x256xf32> to vector<1xf32>
    %reduce_sum3A_34 = vector.shape_cast %reduce_sum3A_33 : vector<1xf32> to vector<1x1x1xf32>
    %reduce_sum3A_35 = vector.extract %reduce_sum3A_34[0, 0, 0] : f32 from vector<1x1x1xf32>
    %mul3A_36 = arith.mulf %convert_element_type3A_13, %reshape3A_29 : vector<1x256xf32>
    %reduce_sum3A_37 = vector.shape_cast %mul3A_36 : vector<1x256xf32> to vector<1x1x256xf32>
    %reduce_sum3A_38 = arith.constant dense<0.000000e+00> : vector<1xf32>
    %reduce_sum3A_39 = vector.multi_reduction <add>, %reduce_sum3A_37, %reduce_sum3A_38 [1, 2] : vector<1x1x256xf32> to vector<1xf32>
    %reduce_sum3A_40 = vector.shape_cast %reduce_sum3A_39 : vector<1xf32> to vector<1x1x1xf32>
    %reduce_sum3A_41 = vector.extract %reduce_sum3A_40[0, 0, 0] : f32 from vector<1x1x1xf32>
    %sub3A_42 = vector.broadcast %reduce_sum3A_35 : f32 to vector<1x256xf32>
    %sub3A_43 = arith.subf %sub3A_42, %convert_element_type3A_13 : vector<1x256xf32>
    %integer_pow3A = arith.mulf %sub3A_43, %sub3A_43 : vector<1x256xf32>
    %mul3A_44 = arith.mulf %integer_pow3A, %reshape3A_29 : vector<1x256xf32>
    %reduce_sum3A_45 = vector.shape_cast %mul3A_44 : vector<1x256xf32> to vector<1x1x256xf32>
    %reduce_sum3A_46 = arith.constant dense<0.000000e+00> : vector<1xf32>
    %reduce_sum3A_47 = vector.multi_reduction <add>, %reduce_sum3A_45, %reduce_sum3A_46 [1, 2] : vector<1x1x256xf32> to vector<1xf32>
    %reduce_sum3A_48 = vector.shape_cast %reduce_sum3A_47 : vector<1xf32> to vector<1x1x1xf32>
    %reduce_sum3A_49 = vector.extract %reduce_sum3A_48[0, 0, 0] : f32 from vector<1x1x1xf32>
    %sqrt3A = math.sqrt %reduce_sum3A_49 : f32
    %sub3A_50 = vector.broadcast %reduce_sum3A_41 : f32 to vector<1x256xf32>
    %sub3A_51 = arith.subf %sub3A_50, %convert_element_type3A_13 : vector<1x256xf32>
    %integer_pow3A_52 = arith.mulf %sub3A_51, %sub3A_51 : vector<1x256xf32>
    %mul3A_53 = arith.mulf %integer_pow3A_52, %reshape3A_29 : vector<1x256xf32>
    %reduce_sum3A_54 = vector.shape_cast %mul3A_53 : vector<1x256xf32> to vector<1x1x256xf32>
    %reduce_sum3A_55 = arith.constant dense<0.000000e+00> : vector<1xf32>
    %reduce_sum3A_56 = vector.multi_reduction <add>, %reduce_sum3A_54, %reduce_sum3A_55 [1, 2] : vector<1x1x256xf32> to vector<1xf32>
    %reduce_sum3A_57 = vector.shape_cast %reduce_sum3A_56 : vector<1xf32> to vector<1x1x1xf32>
    %reduce_sum3A_58 = vector.extract %reduce_sum3A_57[0, 0, 0] : f32 from vector<1x1x1xf32>
    %sqrt3A_59 = math.sqrt %reduce_sum3A_58 : f32
    %sub3A_60 = vector.broadcast %reduce_sum3A_41 : f32 to vector<1x256xf32>
    %sub3A_61 = arith.subf %sub3A_60, %convert_element_type3A_13 : vector<1x256xf32>
    %mul3A_62 = arith.mulf %sqrt3A, %sqrt3A_59 : f32
    %div3A_63 = vector.broadcast %mul3A_62 : f32 to vector<1x256xf32>
    %div3A_64 = arith.divf %sub3A_61, %div3A_63 : vector<1x256xf32>
    %mul3A_65 = vector.broadcast %div3A_64 : vector<1x256xf32> to vector<256x256xf32>
    %mul3A_66 = arith.mulf %div3A_18, %mul3A_65 : vector<256x256xf32>
    %reduce_sum3A_67 = arith.constant dense<0.000000e+00> : vector<256xf32>
    %reduce_sum3A_68 = vector.multi_reduction <add>, %mul3A_66, %reduce_sum3A_67 [1] : vector<256x256xf32> to vector<256xf32>
    %reshape3A_69 = vector.shape_cast %reduce_sum3A_68 : vector<256xf32> to vector<1x256xf32>
    %sub3A_70 = vector.broadcast %reduce_sum3A_35 : f32 to vector<1x256xf32>
    %sub3A_71 = arith.subf %sub3A_70, %convert_element_type3A_13 : vector<1x256xf32>
    %mul3A_72 = arith.mulf %sub3A_71, %reshape3A_69 : vector<1x256xf32>
    %reduce_sum3A_73 = vector.shape_cast %mul3A_72 : vector<1x256xf32> to vector<1x1x256xf32>
    %reduce_sum3A_74 = arith.constant dense<0.000000e+00> : vector<1xf32>
    %reduce_sum3A_75 = vector.multi_reduction <add>, %reduce_sum3A_73, %reduce_sum3A_74 [1, 2] : vector<1x1x256xf32> to vector<1xf32>
    %reduce_sum3A_76 = vector.shape_cast %reduce_sum3A_75 : vector<1xf32> to vector<1x1x1xf32>
    %reduce_sum3A_77 = vector.extract %reduce_sum3A_76[0, 0, 0] : f32 from vector<1x1x1xf32>
    %eq3A_78 = arith.constant 0.000000e+00 : f32
    %eq3A_79 = arith.cmpf oeq, %sqrt3A, %eq3A_78 : f32
    %eq3A_80 = arith.constant 0.000000e+00 : f32
    %eq3A_81 = arith.cmpf oeq, %sqrt3A_59, %eq3A_80 : f32
    %or3A = arith.ori %eq3A_79, %eq3A_81 : i1
    %jit3A_82 = arith.constant 0.000000e+00 : f32
    %select_n3A_83 = arith.select %or3A, %jit3A_82, %reduce_sum3A_77 : f32
    %add3A_84 = arith.constant 9.99999993E-9 : f32
    %add3A_85 = vector.broadcast %add3A_84 : f32 to vector<256x256xf32>
    %add3A_86 = arith.addf %div3A_18, %add3A_85 : vector<256x256xf32>
    %log3A = math.log %add3A_86 : vector<256x256xf32>
    %mul3A_87 = arith.mulf %div3A_18, %log3A : vector<256x256xf32>
    %reduce_sum3A_88 = vector.shape_cast %mul3A_87 : vector<256x256xf32> to vector<1x256x256xf32>
    %reduce_sum3A_89 = arith.constant dense<0.000000e+00> : vector<1xf32>
    %reduce_sum3A_90 = vector.multi_reduction <add>, %reduce_sum3A_88, %reduce_sum3A_89 [1, 2] : vector<1x256x256xf32> to vector<1xf32>
    %reduce_sum3A_91 = vector.shape_cast %reduce_sum3A_90 : vector<1xf32> to vector<1x1x1xf32>
    %reduce_sum3A_92 = vector.extract %reduce_sum3A_91[0, 0, 0] : f32 from vector<1x1x1xf32>
    %neg3A = arith.constant 0.000000e+00 : f32
    %neg3A_93 = arith.subf %neg3A, %reduce_sum3A_92 : f32
    %slice3A_94 = vector.extract_strided_slice %reshape3A {offsets = [1, 0, 0], sizes = [1, 256, 256], strides = [1, 1, 1]} : vector<4x256x256xf32> to vector<1x256x256xf32>
    %squeeze3A_95 = vector.shape_cast %slice3A_94 : vector<1x256x256xf32> to vector<256x256xf32>
    %sub3A_96 = arith.subf %squeeze3A_95, %select_n3A : vector<256x256xf32>
    %transpose3A_97 = tpu.transpose %sub3A_96, [1, 0] : vector<256x256xf32> -> vector<256x256xf32>
    %add3A_98 = arith.addf %sub3A_96, %transpose3A_97 : vector<256x256xf32>
    %reduce_sum3A_99 = vector.shape_cast %add3A_98 : vector<256x256xf32> to vector<1x256x256xf32>
    %reduce_sum3A_100 = arith.constant dense<0.000000e+00> : vector<1xf32>
    %reduce_sum3A_101 = vector.multi_reduction <add>, %reduce_sum3A_99, %reduce_sum3A_100 [1, 2] : vector<1x256x256xf32> to vector<1xf32>
    %reduce_sum3A_102 = vector.shape_cast %reduce_sum3A_101 : vector<1xf32> to vector<1x1x1xf32>
    %reduce_sum3A_103 = vector.extract %reduce_sum3A_102[0, 0, 0] : f32 from vector<1x1x1xf32>
    %div3A_104 = vector.broadcast %reduce_sum3A_103 : f32 to vector<256x256xf32>
    %div3A_105 = arith.divf %add3A_98, %div3A_104 : vector<256x256xf32>
    %mul3A_106 = arith.mulf %div3A_105, %div3A_105 : vector<256x256xf32>
    %reduce_sum3A_107 = vector.shape_cast %mul3A_106 : vector<256x256xf32> to vector<1x256x256xf32>
    %reduce_sum3A_108 = arith.constant dense<0.000000e+00> : vector<1xf32>
    %reduce_sum3A_109 = vector.multi_reduction <add>, %reduce_sum3A_107, %reduce_sum3A_108 [1, 2] : vector<1x256x256xf32> to vector<1xf32>
    %reduce_sum3A_110 = vector.shape_cast %reduce_sum3A_109 : vector<1xf32> to vector<1x1x1xf32>
    %reduce_sum3A_111 = vector.extract %reduce_sum3A_110[0, 0, 0] : f32 from vector<1x1x1xf32>
    %reduce_sum3A_112 = arith.constant dense<0.000000e+00> : vector<256xf32>
    %reduce_sum3A_113 = vector.multi_reduction <add>, %div3A_105, %reduce_sum3A_112 [1] : vector<256x256xf32> to vector<256xf32>
    %reshape3A_114 = vector.shape_cast %reduce_sum3A_113 : vector<256xf32> to vector<1x256xf32>
    %reduce_sum3A_115 = arith.constant dense<0.000000e+00> : vector<256xf32>
    %reduce_sum3A_116 = vector.multi_reduction <add>, %div3A_105, %reduce_sum3A_115 [0] : vector<256x256xf32> to vector<256xf32>
    %reshape3A_117 = vector.shape_cast %reduce_sum3A_116 : vector<256xf32> to vector<1x256xf32>
    %mul3A_118 = arith.mulf %convert_element_type3A_13, %reshape3A_114 : vector<1x256xf32>
    %reduce_sum3A_119 = vector.shape_cast %mul3A_118 : vector<1x256xf32> to vector<1x1x256xf32>
    %reduce_sum3A_120 = arith.constant dense<0.000000e+00> : vector<1xf32>
    %reduce_sum3A_121 = vector.multi_reduction <add>, %reduce_sum3A_119, %reduce_sum3A_120 [1, 2] : vector<1x1x256xf32> to vector<1xf32>
    %reduce_sum3A_122 = vector.shape_cast %reduce_sum3A_121 : vector<1xf32> to vector<1x1x1xf32>
    %reduce_sum3A_123 = vector.extract %reduce_sum3A_122[0, 0, 0] : f32 from vector<1x1x1xf32>
    %mul3A_124 = arith.mulf %convert_element_type3A_13, %reshape3A_117 : vector<1x256xf32>
    %reduce_sum3A_125 = vector.shape_cast %mul3A_124 : vector<1x256xf32> to vector<1x1x256xf32>
    %reduce_sum3A_126 = arith.constant dense<0.000000e+00> : vector<1xf32>
    %reduce_sum3A_127 = vector.multi_reduction <add>, %reduce_sum3A_125, %reduce_sum3A_126 [1, 2] : vector<1x1x256xf32> to vector<1xf32>
    %reduce_sum3A_128 = vector.shape_cast %reduce_sum3A_127 : vector<1xf32> to vector<1x1x1xf32>
    %reduce_sum3A_129 = vector.extract %reduce_sum3A_128[0, 0, 0] : f32 from vector<1x1x1xf32>
    %sub3A_130 = vector.broadcast %reduce_sum3A_123 : f32 to vector<1x256xf32>
    %sub3A_131 = arith.subf %sub3A_130, %convert_element_type3A_13 : vector<1x256xf32>
    %integer_pow3A_132 = arith.mulf %sub3A_131, %sub3A_131 : vector<1x256xf32>
    %mul3A_133 = arith.mulf %integer_pow3A_132, %reshape3A_117 : vector<1x256xf32>
    %reduce_sum3A_134 = vector.shape_cast %mul3A_133 : vector<1x256xf32> to vector<1x1x256xf32>
    %reduce_sum3A_135 = arith.constant dense<0.000000e+00> : vector<1xf32>
    %reduce_sum3A_136 = vector.multi_reduction <add>, %reduce_sum3A_134, %reduce_sum3A_135 [1, 2] : vector<1x1x256xf32> to vector<1xf32>
    %reduce_sum3A_137 = vector.shape_cast %reduce_sum3A_136 : vector<1xf32> to vector<1x1x1xf32>
    %reduce_sum3A_138 = vector.extract %reduce_sum3A_137[0, 0, 0] : f32 from vector<1x1x1xf32>
    %sqrt3A_139 = math.sqrt %reduce_sum3A_138 : f32
    %sub3A_140 = vector.broadcast %reduce_sum3A_129 : f32 to vector<1x256xf32>
    %sub3A_141 = arith.subf %sub3A_140, %convert_element_type3A_13 : vector<1x256xf32>
    %integer_pow3A_142 = arith.mulf %sub3A_141, %sub3A_141 : vector<1x256xf32>
    %mul3A_143 = arith.mulf %integer_pow3A_142, %reshape3A_117 : vector<1x256xf32>
    %reduce_sum3A_144 = vector.shape_cast %mul3A_143 : vector<1x256xf32> to vector<1x1x256xf32>
    %reduce_sum3A_145 = arith.constant dense<0.000000e+00> : vector<1xf32>
    %reduce_sum3A_146 = vector.multi_reduction <add>, %reduce_sum3A_144, %reduce_sum3A_145 [1, 2] : vector<1x1x256xf32> to vector<1xf32>
    %reduce_sum3A_147 = vector.shape_cast %reduce_sum3A_146 : vector<1xf32> to vector<1x1x1xf32>
    %reduce_sum3A_148 = vector.extract %reduce_sum3A_147[0, 0, 0] : f32 from vector<1x1x1xf32>
    %sqrt3A_149 = math.sqrt %reduce_sum3A_148 : f32
    %sub3A_150 = vector.broadcast %reduce_sum3A_129 : f32 to vector<1x256xf32>
    %sub3A_151 = arith.subf %sub3A_150, %convert_element_type3A_13 : vector<1x256xf32>
    %mul3A_152 = arith.mulf %sqrt3A_139, %sqrt3A_149 : f32
    %div3A_153 = vector.broadcast %mul3A_152 : f32 to vector<1x256xf32>
    %div3A_154 = arith.divf %sub3A_151, %div3A_153 : vector<1x256xf32>
    %mul3A_155 = vector.broadcast %div3A_154 : vector<1x256xf32> to vector<256x256xf32>
    %mul3A_156 = arith.mulf %div3A_105, %mul3A_155 : vector<256x256xf32>
    %reduce_sum3A_157 = arith.constant dense<0.000000e+00> : vector<256xf32>
    %reduce_sum3A_158 = vector.multi_reduction <add>, %mul3A_156, %reduce_sum3A_157 [1] : vector<256x256xf32> to vector<256xf32>
    %reshape3A_159 = vector.shape_cast %reduce_sum3A_158 : vector<256xf32> to vector<1x256xf32>
    %sub3A_160 = vector.broadcast %reduce_sum3A_123 : f32 to vector<1x256xf32>
    %sub3A_161 = arith.subf %sub3A_160, %convert_element_type3A_13 : vector<1x256xf32>
    %mul3A_162 = arith.mulf %sub3A_161, %reshape3A_159 : vector<1x256xf32>
    %reduce_sum3A_163 = vector.shape_cast %mul3A_162 : vector<1x256xf32> to vector<1x1x256xf32>
    %reduce_sum3A_164 = arith.constant dense<0.000000e+00> : vector<1xf32>
    %reduce_sum3A_165 = vector.multi_reduction <add>, %reduce_sum3A_163, %reduce_sum3A_164 [1, 2] : vector<1x1x256xf32> to vector<1xf32>
    %reduce_sum3A_166 = vector.shape_cast %reduce_sum3A_165 : vector<1xf32> to vector<1x1x1xf32>
    %reduce_sum3A_167 = vector.extract %reduce_sum3A_166[0, 0, 0] : f32 from vector<1x1x1xf32>
    %eq3A_168 = arith.constant 0.000000e+00 : f32
    %eq3A_169 = arith.cmpf oeq, %sqrt3A_139, %eq3A_168 : f32
    %eq3A_170 = arith.constant 0.000000e+00 : f32
    %eq3A_171 = arith.cmpf oeq, %sqrt3A_149, %eq3A_170 : f32
    %or3A_172 = arith.ori %eq3A_169, %eq3A_171 : i1
    %jit3A_173 = arith.constant 0.000000e+00 : f32
    %select_n3A_174 = arith.select %or3A_172, %jit3A_173, %reduce_sum3A_167 : f32
    %add3A_175 = arith.constant 9.99999993E-9 : f32
    %add3A_176 = vector.broadcast %add3A_175 : f32 to vector<256x256xf32>
    %add3A_177 = arith.addf %div3A_105, %add3A_176 : vector<256x256xf32>
    %log3A_178 = math.log %add3A_177 : vector<256x256xf32>
    %mul3A_179 = arith.mulf %div3A_105, %log3A_178 : vector<256x256xf32>
    %reduce_sum3A_180 = vector.shape_cast %mul3A_179 : vector<256x256xf32> to vector<1x256x256xf32>
    %reduce_sum3A_181 = arith.constant dense<0.000000e+00> : vector<1xf32>
    %reduce_sum3A_182 = vector.multi_reduction <add>, %reduce_sum3A_180, %reduce_sum3A_181 [1, 2] : vector<1x256x256xf32> to vector<1xf32>
    %reduce_sum3A_183 = vector.shape_cast %reduce_sum3A_182 : vector<1xf32> to vector<1x1x1xf32>
    %reduce_sum3A_184 = vector.extract %reduce_sum3A_183[0, 0, 0] : f32 from vector<1x1x1xf32>
    %neg3A_185 = arith.constant 0.000000e+00 : f32
    %neg3A_186 = arith.subf %neg3A_185, %reduce_sum3A_184 : f32
    %slice3A_187 = vector.extract_strided_slice %reshape3A {offsets = [2, 0, 0], sizes = [1, 256, 256], strides = [1, 1, 1]} : vector<4x256x256xf32> to vector<1x256x256xf32>
    %squeeze3A_188 = vector.shape_cast %slice3A_187 : vector<1x256x256xf32> to vector<256x256xf32>
    %sub3A_189 = arith.subf %squeeze3A_188, %select_n3A : vector<256x256xf32>
    %transpose3A_190 = tpu.transpose %sub3A_189, [1, 0] : vector<256x256xf32> -> vector<256x256xf32>
    %add3A_191 = arith.addf %sub3A_189, %transpose3A_190 : vector<256x256xf32>
    %reduce_sum3A_192 = vector.shape_cast %add3A_191 : vector<256x256xf32> to vector<1x256x256xf32>
    %reduce_sum3A_193 = arith.constant dense<0.000000e+00> : vector<1xf32>
    %reduce_sum3A_194 = vector.multi_reduction <add>, %reduce_sum3A_192, %reduce_sum3A_193 [1, 2] : vector<1x256x256xf32> to vector<1xf32>
    %reduce_sum3A_195 = vector.shape_cast %reduce_sum3A_194 : vector<1xf32> to vector<1x1x1xf32>
    %reduce_sum3A_196 = vector.extract %reduce_sum3A_195[0, 0, 0] : f32 from vector<1x1x1xf32>
    %div3A_197 = vector.broadcast %reduce_sum3A_196 : f32 to vector<256x256xf32>
    %div3A_198 = arith.divf %add3A_191, %div3A_197 : vector<256x256xf32>
    %mul3A_199 = arith.mulf %div3A_198, %div3A_198 : vector<256x256xf32>
    %reduce_sum3A_200 = vector.shape_cast %mul3A_199 : vector<256x256xf32> to vector<1x256x256xf32>
    %reduce_sum3A_201 = arith.constant dense<0.000000e+00> : vector<1xf32>
    %reduce_sum3A_202 = vector.multi_reduction <add>, %reduce_sum3A_200, %reduce_sum3A_201 [1, 2] : vector<1x256x256xf32> to vector<1xf32>
    %reduce_sum3A_203 = vector.shape_cast %reduce_sum3A_202 : vector<1xf32> to vector<1x1x1xf32>
    %reduce_sum3A_204 = vector.extract %reduce_sum3A_203[0, 0, 0] : f32 from vector<1x1x1xf32>
    %reduce_sum3A_205 = arith.constant dense<0.000000e+00> : vector<256xf32>
    %reduce_sum3A_206 = vector.multi_reduction <add>, %div3A_198, %reduce_sum3A_205 [1] : vector<256x256xf32> to vector<256xf32>
    %reshape3A_207 = vector.shape_cast %reduce_sum3A_206 : vector<256xf32> to vector<1x256xf32>
    %reduce_sum3A_208 = arith.constant dense<0.000000e+00> : vector<256xf32>
    %reduce_sum3A_209 = vector.multi_reduction <add>, %div3A_198, %reduce_sum3A_208 [0] : vector<256x256xf32> to vector<256xf32>
    %reshape3A_210 = vector.shape_cast %reduce_sum3A_209 : vector<256xf32> to vector<1x256xf32>
    %mul3A_211 = arith.mulf %convert_element_type3A_13, %reshape3A_207 : vector<1x256xf32>
    %reduce_sum3A_212 = vector.shape_cast %mul3A_211 : vector<1x256xf32> to vector<1x1x256xf32>
    %reduce_sum3A_213 = arith.constant dense<0.000000e+00> : vector<1xf32>
    %reduce_sum3A_214 = vector.multi_reduction <add>, %reduce_sum3A_212, %reduce_sum3A_213 [1, 2] : vector<1x1x256xf32> to vector<1xf32>
    %reduce_sum3A_215 = vector.shape_cast %reduce_sum3A_214 : vector<1xf32> to vector<1x1x1xf32>
    %reduce_sum3A_216 = vector.extract %reduce_sum3A_215[0, 0, 0] : f32 from vector<1x1x1xf32>
    %mul3A_217 = arith.mulf %convert_element_type3A_13, %reshape3A_210 : vector<1x256xf32>
    %reduce_sum3A_218 = vector.shape_cast %mul3A_217 : vector<1x256xf32> to vector<1x1x256xf32>
    %reduce_sum3A_219 = arith.constant dense<0.000000e+00> : vector<1xf32>
    %reduce_sum3A_220 = vector.multi_reduction <add>, %reduce_sum3A_218, %reduce_sum3A_219 [1, 2] : vector<1x1x256xf32> to vector<1xf32>
    %reduce_sum3A_221 = vector.shape_cast %reduce_sum3A_220 : vector<1xf32> to vector<1x1x1xf32>
    %reduce_sum3A_222 = vector.extract %reduce_sum3A_221[0, 0, 0] : f32 from vector<1x1x1xf32>
    %sub3A_223 = vector.broadcast %reduce_sum3A_216 : f32 to vector<1x256xf32>
    %sub3A_224 = arith.subf %sub3A_223, %convert_element_type3A_13 : vector<1x256xf32>
    %integer_pow3A_225 = arith.mulf %sub3A_224, %sub3A_224 : vector<1x256xf32>
    %mul3A_226 = arith.mulf %integer_pow3A_225, %reshape3A_210 : vector<1x256xf32>
    %reduce_sum3A_227 = vector.shape_cast %mul3A_226 : vector<1x256xf32> to vector<1x1x256xf32>
    %reduce_sum3A_228 = arith.constant dense<0.000000e+00> : vector<1xf32>
    %reduce_sum3A_229 = vector.multi_reduction <add>, %reduce_sum3A_227, %reduce_sum3A_228 [1, 2] : vector<1x1x256xf32> to vector<1xf32>
    %reduce_sum3A_230 = vector.shape_cast %reduce_sum3A_229 : vector<1xf32> to vector<1x1x1xf32>
    %reduce_sum3A_231 = vector.extract %reduce_sum3A_230[0, 0, 0] : f32 from vector<1x1x1xf32>
    %sqrt3A_232 = math.sqrt %reduce_sum3A_231 : f32
    %sub3A_233 = vector.broadcast %reduce_sum3A_222 : f32 to vector<1x256xf32>
    %sub3A_234 = arith.subf %sub3A_233, %convert_element_type3A_13 : vector<1x256xf32>
    %integer_pow3A_235 = arith.mulf %sub3A_234, %sub3A_234 : vector<1x256xf32>
    %mul3A_236 = arith.mulf %integer_pow3A_235, %reshape3A_210 : vector<1x256xf32>
    %reduce_sum3A_237 = vector.shape_cast %mul3A_236 : vector<1x256xf32> to vector<1x1x256xf32>
    %reduce_sum3A_238 = arith.constant dense<0.000000e+00> : vector<1xf32>
    %reduce_sum3A_239 = vector.multi_reduction <add>, %reduce_sum3A_237, %reduce_sum3A_238 [1, 2] : vector<1x1x256xf32> to vector<1xf32>
    %reduce_sum3A_240 = vector.shape_cast %reduce_sum3A_239 : vector<1xf32> to vector<1x1x1xf32>
    %reduce_sum3A_241 = vector.extract %reduce_sum3A_240[0, 0, 0] : f32 from vector<1x1x1xf32>
    %sqrt3A_242 = math.sqrt %reduce_sum3A_241 : f32
    %sub3A_243 = vector.broadcast %reduce_sum3A_222 : f32 to vector<1x256xf32>
    %sub3A_244 = arith.subf %sub3A_243, %convert_element_type3A_13 : vector<1x256xf32>
    %mul3A_245 = arith.mulf %sqrt3A_232, %sqrt3A_242 : f32
    %div3A_246 = vector.broadcast %mul3A_245 : f32 to vector<1x256xf32>
    %div3A_247 = arith.divf %sub3A_244, %div3A_246 : vector<1x256xf32>
    %mul3A_248 = vector.broadcast %div3A_247 : vector<1x256xf32> to vector<256x256xf32>
    %mul3A_249 = arith.mulf %div3A_198, %mul3A_248 : vector<256x256xf32>
    %reduce_sum3A_250 = arith.constant dense<0.000000e+00> : vector<256xf32>
    %reduce_sum3A_251 = vector.multi_reduction <add>, %mul3A_249, %reduce_sum3A_250 [1] : vector<256x256xf32> to vector<256xf32>
    %reshape3A_252 = vector.shape_cast %reduce_sum3A_251 : vector<256xf32> to vector<1x256xf32>
    %sub3A_253 = vector.broadcast %reduce_sum3A_216 : f32 to vector<1x256xf32>
    %sub3A_254 = arith.subf %sub3A_253, %convert_element_type3A_13 : vector<1x256xf32>
    %mul3A_255 = arith.mulf %sub3A_254, %reshape3A_252 : vector<1x256xf32>
    %reduce_sum3A_256 = vector.shape_cast %mul3A_255 : vector<1x256xf32> to vector<1x1x256xf32>
    %reduce_sum3A_257 = arith.constant dense<0.000000e+00> : vector<1xf32>
    %reduce_sum3A_258 = vector.multi_reduction <add>, %reduce_sum3A_256, %reduce_sum3A_257 [1, 2] : vector<1x1x256xf32> to vector<1xf32>
    %reduce_sum3A_259 = vector.shape_cast %reduce_sum3A_258 : vector<1xf32> to vector<1x1x1xf32>
    %reduce_sum3A_260 = vector.extract %reduce_sum3A_259[0, 0, 0] : f32 from vector<1x1x1xf32>
    %eq3A_261 = arith.constant 0.000000e+00 : f32
    %eq3A_262 = arith.cmpf oeq, %sqrt3A_232, %eq3A_261 : f32
    %eq3A_263 = arith.constant 0.000000e+00 : f32
    %eq3A_264 = arith.cmpf oeq, %sqrt3A_242, %eq3A_263 : f32
    %or3A_265 = arith.ori %eq3A_262, %eq3A_264 : i1
    %jit3A_266 = arith.constant 0.000000e+00 : f32
    %select_n3A_267 = arith.select %or3A_265, %jit3A_266, %reduce_sum3A_260 : f32
    %add3A_268 = arith.constant 9.99999993E-9 : f32
    %add3A_269 = vector.broadcast %add3A_268 : f32 to vector<256x256xf32>
    %add3A_270 = arith.addf %div3A_198, %add3A_269 : vector<256x256xf32>
    %log3A_271 = math.log %add3A_270 : vector<256x256xf32>
    %mul3A_272 = arith.mulf %div3A_198, %log3A_271 : vector<256x256xf32>
    %reduce_sum3A_273 = vector.shape_cast %mul3A_272 : vector<256x256xf32> to vector<1x256x256xf32>
    %reduce_sum3A_274 = arith.constant dense<0.000000e+00> : vector<1xf32>
    %reduce_sum3A_275 = vector.multi_reduction <add>, %reduce_sum3A_273, %reduce_sum3A_274 [1, 2] : vector<1x256x256xf32> to vector<1xf32>
    %reduce_sum3A_276 = vector.shape_cast %reduce_sum3A_275 : vector<1xf32> to vector<1x1x1xf32>
    %reduce_sum3A_277 = vector.extract %reduce_sum3A_276[0, 0, 0] : f32 from vector<1x1x1xf32>
    %neg3A_278 = arith.constant 0.000000e+00 : f32
    %neg3A_279 = arith.subf %neg3A_278, %reduce_sum3A_277 : f32
    %slice3A_280 = vector.extract_strided_slice %reshape3A {offsets = [3, 0, 0], sizes = [1, 256, 256], strides = [1, 1, 1]} : vector<4x256x256xf32> to vector<1x256x256xf32>
    %squeeze3A_281 = vector.shape_cast %slice3A_280 : vector<1x256x256xf32> to vector<256x256xf32>
    %sub3A_282 = arith.subf %squeeze3A_281, %select_n3A : vector<256x256xf32>
    %transpose3A_283 = tpu.transpose %sub3A_282, [1, 0] : vector<256x256xf32> -> vector<256x256xf32>
    %add3A_284 = arith.addf %sub3A_282, %transpose3A_283 : vector<256x256xf32>
    %reduce_sum3A_285 = vector.shape_cast %add3A_284 : vector<256x256xf32> to vector<1x256x256xf32>
    %reduce_sum3A_286 = arith.constant dense<0.000000e+00> : vector<1xf32>
    %reduce_sum3A_287 = vector.multi_reduction <add>, %reduce_sum3A_285, %reduce_sum3A_286 [1, 2] : vector<1x256x256xf32> to vector<1xf32>
    %reduce_sum3A_288 = vector.shape_cast %reduce_sum3A_287 : vector<1xf32> to vector<1x1x1xf32>
    %reduce_sum3A_289 = vector.extract %reduce_sum3A_288[0, 0, 0] : f32 from vector<1x1x1xf32>
    %div3A_290 = vector.broadcast %reduce_sum3A_289 : f32 to vector<256x256xf32>
    %div3A_291 = arith.divf %add3A_284, %div3A_290 : vector<256x256xf32>
    %mul3A_292 = arith.mulf %div3A_291, %div3A_291 : vector<256x256xf32>
    %reduce_sum3A_293 = vector.shape_cast %mul3A_292 : vector<256x256xf32> to vector<1x256x256xf32>
    %reduce_sum3A_294 = arith.constant dense<0.000000e+00> : vector<1xf32>
    %reduce_sum3A_295 = vector.multi_reduction <add>, %reduce_sum3A_293, %reduce_sum3A_294 [1, 2] : vector<1x256x256xf32> to vector<1xf32>
    %reduce_sum3A_296 = vector.shape_cast %reduce_sum3A_295 : vector<1xf32> to vector<1x1x1xf32>
    %reduce_sum3A_297 = vector.extract %reduce_sum3A_296[0, 0, 0] : f32 from vector<1x1x1xf32>
    %reduce_sum3A_298 = arith.constant dense<0.000000e+00> : vector<256xf32>
    %reduce_sum3A_299 = vector.multi_reduction <add>, %div3A_291, %reduce_sum3A_298 [1] : vector<256x256xf32> to vector<256xf32>
    %reshape3A_300 = vector.shape_cast %reduce_sum3A_299 : vector<256xf32> to vector<1x256xf32>
    %reduce_sum3A_301 = arith.constant dense<0.000000e+00> : vector<256xf32>
    %reduce_sum3A_302 = vector.multi_reduction <add>, %div3A_291, %reduce_sum3A_301 [0] : vector<256x256xf32> to vector<256xf32>
    %reshape3A_303 = vector.shape_cast %reduce_sum3A_302 : vector<256xf32> to vector<1x256xf32>
    %mul3A_304 = arith.mulf %convert_element_type3A_13, %reshape3A_300 : vector<1x256xf32>
    %reduce_sum3A_305 = vector.shape_cast %mul3A_304 : vector<1x256xf32> to vector<1x1x256xf32>
    %reduce_sum3A_306 = arith.constant dense<0.000000e+00> : vector<1xf32>
    %reduce_sum3A_307 = vector.multi_reduction <add>, %reduce_sum3A_305, %reduce_sum3A_306 [1, 2] : vector<1x1x256xf32> to vector<1xf32>
    %reduce_sum3A_308 = vector.shape_cast %reduce_sum3A_307 : vector<1xf32> to vector<1x1x1xf32>
    %reduce_sum3A_309 = vector.extract %reduce_sum3A_308[0, 0, 0] : f32 from vector<1x1x1xf32>
    %mul3A_310 = arith.mulf %convert_element_type3A_13, %reshape3A_303 : vector<1x256xf32>
    %reduce_sum3A_311 = vector.shape_cast %mul3A_310 : vector<1x256xf32> to vector<1x1x256xf32>
    %reduce_sum3A_312 = arith.constant dense<0.000000e+00> : vector<1xf32>
    %reduce_sum3A_313 = vector.multi_reduction <add>, %reduce_sum3A_311, %reduce_sum3A_312 [1, 2] : vector<1x1x256xf32> to vector<1xf32>
    %reduce_sum3A_314 = vector.shape_cast %reduce_sum3A_313 : vector<1xf32> to vector<1x1x1xf32>
    %reduce_sum3A_315 = vector.extract %reduce_sum3A_314[0, 0, 0] : f32 from vector<1x1x1xf32>
    %sub3A_316 = vector.broadcast %reduce_sum3A_309 : f32 to vector<1x256xf32>
    %sub3A_317 = arith.subf %sub3A_316, %convert_element_type3A_13 : vector<1x256xf32>
    %integer_pow3A_318 = arith.mulf %sub3A_317, %sub3A_317 : vector<1x256xf32>
    %mul3A_319 = arith.mulf %integer_pow3A_318, %reshape3A_303 : vector<1x256xf32>
    %reduce_sum3A_320 = vector.shape_cast %mul3A_319 : vector<1x256xf32> to vector<1x1x256xf32>
    %reduce_sum3A_321 = arith.constant dense<0.000000e+00> : vector<1xf32>
    %reduce_sum3A_322 = vector.multi_reduction <add>, %reduce_sum3A_320, %reduce_sum3A_321 [1, 2] : vector<1x1x256xf32> to vector<1xf32>
    %reduce_sum3A_323 = vector.shape_cast %reduce_sum3A_322 : vector<1xf32> to vector<1x1x1xf32>
    %reduce_sum3A_324 = vector.extract %reduce_sum3A_323[0, 0, 0] : f32 from vector<1x1x1xf32>
    %sqrt3A_325 = math.sqrt %reduce_sum3A_324 : f32
    %sub3A_326 = vector.broadcast %reduce_sum3A_315 : f32 to vector<1x256xf32>
    %sub3A_327 = arith.subf %sub3A_326, %convert_element_type3A_13 : vector<1x256xf32>
    %integer_pow3A_328 = arith.mulf %sub3A_327, %sub3A_327 : vector<1x256xf32>
    %mul3A_329 = arith.mulf %integer_pow3A_328, %reshape3A_303 : vector<1x256xf32>
    %reduce_sum3A_330 = vector.shape_cast %mul3A_329 : vector<1x256xf32> to vector<1x1x256xf32>
    %reduce_sum3A_331 = arith.constant dense<0.000000e+00> : vector<1xf32>
    %reduce_sum3A_332 = vector.multi_reduction <add>, %reduce_sum3A_330, %reduce_sum3A_331 [1, 2] : vector<1x1x256xf32> to vector<1xf32>
    %reduce_sum3A_333 = vector.shape_cast %reduce_sum3A_332 : vector<1xf32> to vector<1x1x1xf32>
    %reduce_sum3A_334 = vector.extract %reduce_sum3A_333[0, 0, 0] : f32 from vector<1x1x1xf32>
    %sqrt3A_335 = math.sqrt %reduce_sum3A_334 : f32
    %sub3A_336 = vector.broadcast %reduce_sum3A_315 : f32 to vector<1x256xf32>
    %sub3A_337 = arith.subf %sub3A_336, %convert_element_type3A_13 : vector<1x256xf32>
    %mul3A_338 = arith.mulf %sqrt3A_325, %sqrt3A_335 : f32
    %div3A_339 = vector.broadcast %mul3A_338 : f32 to vector<1x256xf32>
    %div3A_340 = arith.divf %sub3A_337, %div3A_339 : vector<1x256xf32>
    %mul3A_341 = vector.broadcast %div3A_340 : vector<1x256xf32> to vector<256x256xf32>
    %mul3A_342 = arith.mulf %div3A_291, %mul3A_341 : vector<256x256xf32>
    %reduce_sum3A_343 = arith.constant dense<0.000000e+00> : vector<256xf32>
    %reduce_sum3A_344 = vector.multi_reduction <add>, %mul3A_342, %reduce_sum3A_343 [1] : vector<256x256xf32> to vector<256xf32>
    %reshape3A_345 = vector.shape_cast %reduce_sum3A_344 : vector<256xf32> to vector<1x256xf32>
    %sub3A_346 = vector.broadcast %reduce_sum3A_309 : f32 to vector<1x256xf32>
    %sub3A_347 = arith.subf %sub3A_346, %convert_element_type3A_13 : vector<1x256xf32>
    %mul3A_348 = arith.mulf %sub3A_347, %reshape3A_345 : vector<1x256xf32>
    %reduce_sum3A_349 = vector.shape_cast %mul3A_348 : vector<1x256xf32> to vector<1x1x256xf32>
    %reduce_sum3A_350 = arith.constant dense<0.000000e+00> : vector<1xf32>
    %reduce_sum3A_351 = vector.multi_reduction <add>, %reduce_sum3A_349, %reduce_sum3A_350 [1, 2] : vector<1x1x256xf32> to vector<1xf32>
    %reduce_sum3A_352 = vector.shape_cast %reduce_sum3A_351 : vector<1xf32> to vector<1x1x1xf32>
    %reduce_sum3A_353 = vector.extract %reduce_sum3A_352[0, 0, 0] : f32 from vector<1x1x1xf32>
    %eq3A_354 = arith.constant 0.000000e+00 : f32
    %eq3A_355 = arith.cmpf oeq, %sqrt3A_325, %eq3A_354 : f32
    %eq3A_356 = arith.constant 0.000000e+00 : f32
    %eq3A_357 = arith.cmpf oeq, %sqrt3A_335, %eq3A_356 : f32
    %or3A_358 = arith.ori %eq3A_355, %eq3A_357 : i1
    %jit3A_359 = arith.constant 0.000000e+00 : f32
    %select_n3A_360 = arith.select %or3A_358, %jit3A_359, %reduce_sum3A_353 : f32
    %add3A_361 = arith.constant 9.99999993E-9 : f32
    %add3A_362 = vector.broadcast %add3A_361 : f32 to vector<256x256xf32>
    %add3A_363 = arith.addf %div3A_291, %add3A_362 : vector<256x256xf32>
    %log3A_364 = math.log %add3A_363 : vector<256x256xf32>
    %mul3A_365 = arith.mulf %div3A_291, %log3A_364 : vector<256x256xf32>
    %reduce_sum3A_366 = vector.shape_cast %mul3A_365 : vector<256x256xf32> to vector<1x256x256xf32>
    %reduce_sum3A_367 = arith.constant dense<0.000000e+00> : vector<1xf32>
    %reduce_sum3A_368 = vector.multi_reduction <add>, %reduce_sum3A_366, %reduce_sum3A_367 [1, 2] : vector<1x256x256xf32> to vector<1xf32>
    %reduce_sum3A_369 = vector.shape_cast %reduce_sum3A_368 : vector<1xf32> to vector<1x1x1xf32>
    %reduce_sum3A_370 = vector.extract %reduce_sum3A_369[0, 0, 0] : f32 from vector<1x1x1xf32>
    %neg3A_371 = arith.constant 0.000000e+00 : f32
    %neg3A_372 = arith.subf %neg3A_371, %reduce_sum3A_370 : f32
    %sub3A_373 = arith.subf %reduce_sum3A_23, %reduce_sum3A_111 : f32
    %abs3A = math.absf %sub3A_373 : f32
    %sub3A_374 = arith.subf %select_n3A_83, %select_n3A_174 : f32
    %abs3A_375 = math.absf %sub3A_374 : f32
    %add3A_376 = arith.addf %abs3A, %abs3A_375 : f32
    %sub3A_377 = arith.subf %neg3A_93, %neg3A_186 : f32
    %abs3A_378 = math.absf %sub3A_377 : f32
    %add3A_379 = arith.addf %add3A_376, %abs3A_378 : f32
    %sub3A_380 = arith.subf %reduce_sum3A_204, %reduce_sum3A_297 : f32
    %abs3A_381 = math.absf %sub3A_380 : f32
    %add3A_382 = arith.addf %add3A_379, %abs3A_381 : f32
    %sub3A_383 = arith.subf %select_n3A_267, %select_n3A_360 : f32
    %abs3A_384 = math.absf %sub3A_383 : f32
    %add3A_385 = arith.addf %add3A_382, %abs3A_384 : f32
    %sub3A_386 = arith.subf %neg3A_279, %neg3A_372 : f32
    %abs3A_387 = math.absf %sub3A_386 : f32
    %add3A_388 = arith.addf %add3A_385, %abs3A_387 : f32
    %swap3A = arith.constant 0 : index
    %swap3A_389 = arith.constant 0 : index
    %swap3A_390 = memref.load %arg1[%swap3A, %swap3A_389] : memref<1x1xf32, #tpu.memory_space<smem>>
    memref.store %add3A_388, %arg1[%swap3A, %swap3A_389] : memref<1x1xf32, #tpu.memory_space<smem>>
    return
  }
}

module attributes {stable_mosaic.version = 14 : i64} {
  func.func @_grad_index_body(%arg0: i32, %arg1: memref<1x512x512xf32, #tpu.memory_space<vmem>>, %arg2: memref<1x512x512xf32, #tpu.memory_space<vmem>>, %arg3: memref<1x512x512xf32, #tpu.memory_space<vmem>>, %arg4: memref<1x512x512xf32, #tpu.memory_space<vmem>>, %arg5: memref<8x256x128xi32, #tpu.memory_space<vmem>>) attributes {dimension_semantics = [#tpu.dimension_semantics<arbitrary>], iteration_bounds = array<i64: 4>, scalar_prefetch = 0 : i64, scratch_operands = 0 : i64, tpu.core_type = #tpu.core_type<tc>, window_params = [{pipeline_mode = #tpu.pipeline_mode<synchronous>, transform_indices = @transform_0, window_bounds = array<i64: 1, 512, 512>}, {pipeline_mode = #tpu.pipeline_mode<synchronous>, transform_indices = @transform_1, window_bounds = array<i64: 1, 512, 512>}, {pipeline_mode = #tpu.pipeline_mode<synchronous>, transform_indices = @transform_2, window_bounds = array<i64: 1, 512, 512>}, {pipeline_mode = #tpu.pipeline_mode<synchronous>, transform_indices = @transform_3, window_bounds = array<i64: 1, 512, 512>}, {transform_indices = @transform_4, window_bounds = array<i64: 8, 256, 128>}]} {
    %eq3A = arith.constant 0 : i32
    %eq3A_0 = arith.cmpi eq, %arg0, %eq3A : i32
    %convert_element_type3A = arith.extui %eq3A_0 : i1 to i32
    %cond3A = arith.constant 0 : i32
    %cond3A_1 = arith.cmpi ne, %convert_element_type3A, %cond3A : i32
    scf.if %cond3A_1 {
      %get3A = arith.constant 0 : index
      %get3A_17 = arith.constant 0 : index
      %get3A_18 = arith.constant 0 : index
      %get3A_19 = vector.load %arg1[%get3A, %get3A_17, %get3A_18] : memref<1x512x512xf32, #tpu.memory_space<vmem>>, vector<1x512x512xf32>
      %get3A_20 = vector.shape_cast %get3A_19 : vector<1x512x512xf32> to vector<512x512xf32>
      %convert_element_type3A_21 = arith.truncf %get3A_20 : vector<512x512xf32> to vector<512x512xbf16>
      %convert_element_type3A_22 = arith.extf %convert_element_type3A_21 : vector<512x512xbf16> to vector<512x512xf32>
      %slice3A = vector.extract_strided_slice %convert_element_type3A_22 {offsets = [0, 0], sizes = [511, 512], strides = [1, 1]} : vector<512x512xf32> to vector<511x512xf32>
      %jit3A = arith.constant 0 : i32
      %convert_element_type3A_23 = arith.sitofp %jit3A : i32 to f32
      %pad3A = vector.broadcast %convert_element_type3A_23 : f32 to vector<1x512xf32>
      %pad3A_24 = tpu.concatenate %pad3A, %slice3A in 0 : vector<1x512xf32>, vector<511x512xf32> -> vector<512x512xf32>
      %slice3A_25 = vector.extract_strided_slice %convert_element_type3A_22 {offsets = [1, 0], sizes = [511, 512], strides = [1, 1]} : vector<512x512xf32> to vector<511x512xf32>
      %jit3A_26 = arith.constant 0 : i32
      %convert_element_type3A_27 = arith.sitofp %jit3A_26 : i32 to f32
      %pad3A_28 = vector.broadcast %convert_element_type3A_27 : f32 to vector<1x512xf32>
      %pad3A_29 = tpu.concatenate %slice3A_25, %pad3A_28 in 0 : vector<511x512xf32>, vector<1x512xf32> -> vector<512x512xf32>
      %mul3A = arith.constant 2.000000e+00 : f32
      %mul3A_30 = vector.broadcast %mul3A : f32 to vector<512x512xf32>
      %mul3A_31 = arith.mulf %mul3A_30, %convert_element_type3A_22 : vector<512x512xf32>
      %add3A = arith.addf %pad3A_24, %mul3A_31 : vector<512x512xf32>
      %add3A_32 = arith.addf %add3A, %pad3A_29 : vector<512x512xf32>
      %sub3A = arith.subf %pad3A_29, %pad3A_24 : vector<512x512xf32>
      %slice3A_33 = vector.extract_strided_slice %add3A_32 {offsets = [0, 1], sizes = [512, 511], strides = [1, 1]} : vector<512x512xf32> to vector<512x511xf32>
      %jit3A_34 = arith.constant 0 : i32
      %convert_element_type3A_35 = arith.sitofp %jit3A_34 : i32 to f32
      %pad3A_36 = vector.broadcast %convert_element_type3A_35 : f32 to vector<512x1xf32>
      %pad3A_37 = tpu.concatenate %slice3A_33, %pad3A_36 in 1 : vector<512x511xf32>, vector<512x1xf32> -> vector<512x512xf32>
      %slice3A_38 = vector.extract_strided_slice %add3A_32 {offsets = [0, 0], sizes = [512, 511], strides = [1, 1]} : vector<512x512xf32> to vector<512x511xf32>
      %jit3A_39 = arith.constant 0 : i32
      %convert_element_type3A_40 = arith.sitofp %jit3A_39 : i32 to f32
      %pad3A_41 = vector.broadcast %convert_element_type3A_40 : f32 to vector<512x1xf32>
      %pad3A_42 = tpu.concatenate %pad3A_41, %slice3A_38 in 1 : vector<512x1xf32>, vector<512x511xf32> -> vector<512x512xf32>
      %sub3A_43 = arith.subf %pad3A_37, %pad3A_42 : vector<512x512xf32>
      %slice3A_44 = vector.extract_strided_slice %sub3A {offsets = [0, 0], sizes = [512, 511], strides = [1, 1]} : vector<512x512xf32> to vector<512x511xf32>
      %jit3A_45 = arith.constant 0 : i32
      %convert_element_type3A_46 = arith.sitofp %jit3A_45 : i32 to f32
      %pad3A_47 = vector.broadcast %convert_element_type3A_46 : f32 to vector<512x1xf32>
      %pad3A_48 = tpu.concatenate %pad3A_47, %slice3A_44 in 1 : vector<512x1xf32>, vector<512x511xf32> -> vector<512x512xf32>
      %mul3A_49 = arith.constant 2.000000e+00 : f32
      %mul3A_50 = vector.broadcast %mul3A_49 : f32 to vector<512x512xf32>
      %mul3A_51 = arith.mulf %mul3A_50, %sub3A : vector<512x512xf32>
      %add3A_52 = arith.addf %pad3A_48, %mul3A_51 : vector<512x512xf32>
      %slice3A_53 = vector.extract_strided_slice %sub3A {offsets = [0, 1], sizes = [512, 511], strides = [1, 1]} : vector<512x512xf32> to vector<512x511xf32>
      %jit3A_54 = arith.constant 0 : i32
      %convert_element_type3A_55 = arith.sitofp %jit3A_54 : i32 to f32
      %pad3A_56 = vector.broadcast %convert_element_type3A_55 : f32 to vector<512x1xf32>
      %pad3A_57 = tpu.concatenate %slice3A_53, %pad3A_56 in 1 : vector<512x511xf32>, vector<512x1xf32> -> vector<512x512xf32>
      %add3A_58 = arith.addf %add3A_52, %pad3A_57 : vector<512x512xf32>
      %mul3A_59 = arith.mulf %sub3A_43, %sub3A_43 : vector<512x512xf32>
      %mul3A_60 = arith.mulf %add3A_58, %add3A_58 : vector<512x512xf32>
      %add3A_61 = arith.addf %mul3A_59, %mul3A_60 : vector<512x512xf32>
      %sqrt3A = math.sqrt %add3A_61 : vector<512x512xf32>
      %mul3A_62 = arith.constant 2.550000e+02 : f32
      %mul3A_63 = vector.broadcast %mul3A_62 : f32 to vector<512x512xf32>
      %mul3A_64 = arith.mulf %sqrt3A, %mul3A_63 : vector<512x512xf32>
      %floor3A = math.floor %mul3A_64 : vector<512x512xf32>
      %convert_element_type3A_65 = arith.fptosi %floor3A : vector<512x512xf32> to vector<512x512xi32>
      %jit3A_66 = arith.constant 256 : i32
      %eq3A_67 = arith.constant 0 : i32
      %eq3A_68 = arith.cmpi eq, %jit3A_66, %eq3A_67 : i32
      %jit3A_69 = arith.constant 1 : i32
      %select_n3A = arith.select %eq3A_68, %jit3A_69, %jit3A_66 : i32
      %rem3A = vector.broadcast %select_n3A : i32 to vector<512x512xi32>
      %rem3A_70 = arith.remsi %convert_element_type3A_65, %rem3A : vector<512x512xi32>
      %ne3A = arith.constant 0 : i32
      %ne3A_71 = vector.broadcast %ne3A : i32 to vector<512x512xi32>
      %ne3A_72 = arith.cmpi ne, %rem3A_70, %ne3A_71 : vector<512x512xi32>
      %lt3A = arith.constant 0 : i32
      %lt3A_73 = vector.broadcast %lt3A : i32 to vector<512x512xi32>
      %lt3A_74 = arith.cmpi slt, %rem3A_70, %lt3A_73 : vector<512x512xi32>
      %lt3A_75 = arith.constant 0 : i32
      %lt3A_76 = arith.cmpi slt, %select_n3A, %lt3A_75 : i32
      %ne3A_77 = vector.broadcast %lt3A_76 : i1 to vector<512x512xi1>
      %ne3A_78 = vector.broadcast %ne3A_77 : vector<512x512xi1> to vector<512x512xi1>
      %ne3A_79 = arith.xori %lt3A_74, %ne3A_78 : vector<512x512xi1>
      %and3A = arith.andi %ne3A_79, %ne3A_72 : vector<512x512xi1>
      %add3A_80 = vector.broadcast %select_n3A : i32 to vector<512x512xi32>
      %add3A_81 = arith.addi %rem3A_70, %add3A_80 : vector<512x512xi32>
      %select_n3A_82 = arith.select %and3A, %add3A_81, %rem3A_70 : vector<512x512xi1>, vector<512x512xi32>
      %slice3A_83 = vector.extract_strided_slice %select_n3A_82 {offsets = [0, 1], sizes = [512, 511], strides = [1, 1]} : vector<512x512xi32> to vector<512x511xi32>
      %jit3A_84 = arith.constant 0 : i32
      %pad3A_85 = vector.broadcast %jit3A_84 : i32 to vector<512x1xi32>
      %pad3A_86 = tpu.concatenate %slice3A_83, %pad3A_85 in 1 : vector<512x511xi32>, vector<512x1xi32> -> vector<512x512xi32>
      %iota3A = tpu.iota {dimensions = array<i32: 1>} : vector<512x512xi32>
      %lt3A_87 = arith.constant 511 : i32
      %lt3A_88 = vector.broadcast %lt3A_87 : i32 to vector<512x512xi32>
      %lt3A_89 = arith.cmpi slt, %iota3A, %lt3A_88 : vector<512x512xi32>
      %mul3A_90 = arith.constant 256 : i32
      %mul3A_91 = vector.broadcast %mul3A_90 : i32 to vector<512x512xi32>
      %mul3A_92 = arith.muli %select_n3A_82, %mul3A_91 : vector<512x512xi32>
      %add3A_93 = arith.addi %mul3A_92, %pad3A_86 : vector<512x512xi32>
      %jit3A_94 = arith.constant 0 : i32
      %broadcast_in_dim3A = vector.broadcast %jit3A_94 : i32 to vector<512x512xi32>
      %select_n3A_95 = arith.select %lt3A_89, %add3A_93, %broadcast_in_dim3A : vector<512x512xi1>, vector<512x512xi32>
      %reshape3A = vector.shape_cast %select_n3A_95 : vector<512x512xi32> to vector<8x256x128xi32>
      %swap3A = arith.constant 0 : index
      %swap3A_96 = arith.constant 0 : index
      %swap3A_97 = arith.constant 0 : index
      %swap3A_98 = vector.load %arg5[%swap3A, %swap3A_96, %swap3A_97] : memref<8x256x128xi32, #tpu.memory_space<vmem>>, vector<8x256x128xi32>
      tpu.vector_store %arg5[%swap3A, %swap3A_96, %swap3A_97], %reshape3A {strides = array<i32>} : memref<8x256x128xi32, #tpu.memory_space<vmem>>, vector<8x256x128xi32>,
    } else {
    }
    %eq3A_2 = arith.constant 1 : i32
    %eq3A_3 = arith.cmpi eq, %arg0, %eq3A_2 : i32
    %convert_element_type3A_4 = arith.extui %eq3A_3 : i1 to i32
    %cond3A_5 = arith.constant 0 : i32
    %cond3A_6 = arith.cmpi ne, %convert_element_type3A_4, %cond3A_5 : i32
    scf.if %cond3A_6 {
      %get3A = arith.constant 0 : index
      %get3A_17 = arith.constant 0 : index
      %get3A_18 = arith.constant 0 : index
      %get3A_19 = vector.load %arg2[%get3A, %get3A_17, %get3A_18] : memref<1x512x512xf32, #tpu.memory_space<vmem>>, vector<1x512x512xf32>
      %get3A_20 = vector.shape_cast %get3A_19 : vector<1x512x512xf32> to vector<512x512xf32>
      %convert_element_type3A_21 = arith.truncf %get3A_20 : vector<512x512xf32> to vector<512x512xbf16>
      %convert_element_type3A_22 = arith.extf %convert_element_type3A_21 : vector<512x512xbf16> to vector<512x512xf32>
      %slice3A = vector.extract_strided_slice %convert_element_type3A_22 {offsets = [0, 0], sizes = [511, 512], strides = [1, 1]} : vector<512x512xf32> to vector<511x512xf32>
      %jit3A = arith.constant 0 : i32
      %convert_element_type3A_23 = arith.sitofp %jit3A : i32 to f32
      %pad3A = vector.broadcast %convert_element_type3A_23 : f32 to vector<1x512xf32>
      %pad3A_24 = tpu.concatenate %pad3A, %slice3A in 0 : vector<1x512xf32>, vector<511x512xf32> -> vector<512x512xf32>
      %slice3A_25 = vector.extract_strided_slice %convert_element_type3A_22 {offsets = [1, 0], sizes = [511, 512], strides = [1, 1]} : vector<512x512xf32> to vector<511x512xf32>
      %jit3A_26 = arith.constant 0 : i32
      %convert_element_type3A_27 = arith.sitofp %jit3A_26 : i32 to f32
      %pad3A_28 = vector.broadcast %convert_element_type3A_27 : f32 to vector<1x512xf32>
      %pad3A_29 = tpu.concatenate %slice3A_25, %pad3A_28 in 0 : vector<511x512xf32>, vector<1x512xf32> -> vector<512x512xf32>
      %mul3A = arith.constant 2.000000e+00 : f32
      %mul3A_30 = vector.broadcast %mul3A : f32 to vector<512x512xf32>
      %mul3A_31 = arith.mulf %mul3A_30, %convert_element_type3A_22 : vector<512x512xf32>
      %add3A = arith.addf %pad3A_24, %mul3A_31 : vector<512x512xf32>
      %add3A_32 = arith.addf %add3A, %pad3A_29 : vector<512x512xf32>
      %sub3A = arith.subf %pad3A_29, %pad3A_24 : vector<512x512xf32>
      %slice3A_33 = vector.extract_strided_slice %add3A_32 {offsets = [0, 1], sizes = [512, 511], strides = [1, 1]} : vector<512x512xf32> to vector<512x511xf32>
      %jit3A_34 = arith.constant 0 : i32
      %convert_element_type3A_35 = arith.sitofp %jit3A_34 : i32 to f32
      %pad3A_36 = vector.broadcast %convert_element_type3A_35 : f32 to vector<512x1xf32>
      %pad3A_37 = tpu.concatenate %slice3A_33, %pad3A_36 in 1 : vector<512x511xf32>, vector<512x1xf32> -> vector<512x512xf32>
      %slice3A_38 = vector.extract_strided_slice %add3A_32 {offsets = [0, 0], sizes = [512, 511], strides = [1, 1]} : vector<512x512xf32> to vector<512x511xf32>
      %jit3A_39 = arith.constant 0 : i32
      %convert_element_type3A_40 = arith.sitofp %jit3A_39 : i32 to f32
      %pad3A_41 = vector.broadcast %convert_element_type3A_40 : f32 to vector<512x1xf32>
      %pad3A_42 = tpu.concatenate %pad3A_41, %slice3A_38 in 1 : vector<512x1xf32>, vector<512x511xf32> -> vector<512x512xf32>
      %sub3A_43 = arith.subf %pad3A_37, %pad3A_42 : vector<512x512xf32>
      %slice3A_44 = vector.extract_strided_slice %sub3A {offsets = [0, 0], sizes = [512, 511], strides = [1, 1]} : vector<512x512xf32> to vector<512x511xf32>
      %jit3A_45 = arith.constant 0 : i32
      %convert_element_type3A_46 = arith.sitofp %jit3A_45 : i32 to f32
      %pad3A_47 = vector.broadcast %convert_element_type3A_46 : f32 to vector<512x1xf32>
      %pad3A_48 = tpu.concatenate %pad3A_47, %slice3A_44 in 1 : vector<512x1xf32>, vector<512x511xf32> -> vector<512x512xf32>
      %mul3A_49 = arith.constant 2.000000e+00 : f32
      %mul3A_50 = vector.broadcast %mul3A_49 : f32 to vector<512x512xf32>
      %mul3A_51 = arith.mulf %mul3A_50, %sub3A : vector<512x512xf32>
      %add3A_52 = arith.addf %pad3A_48, %mul3A_51 : vector<512x512xf32>
      %slice3A_53 = vector.extract_strided_slice %sub3A {offsets = [0, 1], sizes = [512, 511], strides = [1, 1]} : vector<512x512xf32> to vector<512x511xf32>
      %jit3A_54 = arith.constant 0 : i32
      %convert_element_type3A_55 = arith.sitofp %jit3A_54 : i32 to f32
      %pad3A_56 = vector.broadcast %convert_element_type3A_55 : f32 to vector<512x1xf32>
      %pad3A_57 = tpu.concatenate %slice3A_53, %pad3A_56 in 1 : vector<512x511xf32>, vector<512x1xf32> -> vector<512x512xf32>
      %add3A_58 = arith.addf %add3A_52, %pad3A_57 : vector<512x512xf32>
      %mul3A_59 = arith.mulf %sub3A_43, %sub3A_43 : vector<512x512xf32>
      %mul3A_60 = arith.mulf %add3A_58, %add3A_58 : vector<512x512xf32>
      %add3A_61 = arith.addf %mul3A_59, %mul3A_60 : vector<512x512xf32>
      %sqrt3A = math.sqrt %add3A_61 : vector<512x512xf32>
      %mul3A_62 = arith.constant 2.550000e+02 : f32
      %mul3A_63 = vector.broadcast %mul3A_62 : f32 to vector<512x512xf32>
      %mul3A_64 = arith.mulf %sqrt3A, %mul3A_63 : vector<512x512xf32>
      %floor3A = math.floor %mul3A_64 : vector<512x512xf32>
      %convert_element_type3A_65 = arith.fptosi %floor3A : vector<512x512xf32> to vector<512x512xi32>
      %jit3A_66 = arith.constant 256 : i32
      %eq3A_67 = arith.constant 0 : i32
      %eq3A_68 = arith.cmpi eq, %jit3A_66, %eq3A_67 : i32
      %jit3A_69 = arith.constant 1 : i32
      %select_n3A = arith.select %eq3A_68, %jit3A_69, %jit3A_66 : i32
      %rem3A = vector.broadcast %select_n3A : i32 to vector<512x512xi32>
      %rem3A_70 = arith.remsi %convert_element_type3A_65, %rem3A : vector<512x512xi32>
      %ne3A = arith.constant 0 : i32
      %ne3A_71 = vector.broadcast %ne3A : i32 to vector<512x512xi32>
      %ne3A_72 = arith.cmpi ne, %rem3A_70, %ne3A_71 : vector<512x512xi32>
      %lt3A = arith.constant 0 : i32
      %lt3A_73 = vector.broadcast %lt3A : i32 to vector<512x512xi32>
      %lt3A_74 = arith.cmpi slt, %rem3A_70, %lt3A_73 : vector<512x512xi32>
      %lt3A_75 = arith.constant 0 : i32
      %lt3A_76 = arith.cmpi slt, %select_n3A, %lt3A_75 : i32
      %ne3A_77 = vector.broadcast %lt3A_76 : i1 to vector<512x512xi1>
      %ne3A_78 = vector.broadcast %ne3A_77 : vector<512x512xi1> to vector<512x512xi1>
      %ne3A_79 = arith.xori %lt3A_74, %ne3A_78 : vector<512x512xi1>
      %and3A = arith.andi %ne3A_79, %ne3A_72 : vector<512x512xi1>
      %add3A_80 = vector.broadcast %select_n3A : i32 to vector<512x512xi32>
      %add3A_81 = arith.addi %rem3A_70, %add3A_80 : vector<512x512xi32>
      %select_n3A_82 = arith.select %and3A, %add3A_81, %rem3A_70 : vector<512x512xi1>, vector<512x512xi32>
      %slice3A_83 = vector.extract_strided_slice %select_n3A_82 {offsets = [0, 1], sizes = [512, 511], strides = [1, 1]} : vector<512x512xi32> to vector<512x511xi32>
      %jit3A_84 = arith.constant 0 : i32
      %pad3A_85 = vector.broadcast %jit3A_84 : i32 to vector<512x1xi32>
      %pad3A_86 = tpu.concatenate %slice3A_83, %pad3A_85 in 1 : vector<512x511xi32>, vector<512x1xi32> -> vector<512x512xi32>
      %iota3A = tpu.iota {dimensions = array<i32: 1>} : vector<512x512xi32>
      %lt3A_87 = arith.constant 511 : i32
      %lt3A_88 = vector.broadcast %lt3A_87 : i32 to vector<512x512xi32>
      %lt3A_89 = arith.cmpi slt, %iota3A, %lt3A_88 : vector<512x512xi32>
      %mul3A_90 = arith.constant 256 : i32
      %mul3A_91 = vector.broadcast %mul3A_90 : i32 to vector<512x512xi32>
      %mul3A_92 = arith.muli %select_n3A_82, %mul3A_91 : vector<512x512xi32>
      %add3A_93 = arith.addi %mul3A_92, %pad3A_86 : vector<512x512xi32>
      %jit3A_94 = arith.constant 0 : i32
      %broadcast_in_dim3A = vector.broadcast %jit3A_94 : i32 to vector<512x512xi32>
      %select_n3A_95 = arith.select %lt3A_89, %add3A_93, %broadcast_in_dim3A : vector<512x512xi1>, vector<512x512xi32>
      %reshape3A = vector.shape_cast %select_n3A_95 : vector<512x512xi32> to vector<8x256x128xi32>
      %swap3A = arith.constant 0 : index
      %swap3A_96 = arith.constant 0 : index
      %swap3A_97 = arith.constant 0 : index
      %swap3A_98 = vector.load %arg5[%swap3A, %swap3A_96, %swap3A_97] : memref<8x256x128xi32, #tpu.memory_space<vmem>>, vector<8x256x128xi32>
      tpu.vector_store %arg5[%swap3A, %swap3A_96, %swap3A_97], %reshape3A {strides = array<i32>} : memref<8x256x128xi32, #tpu.memory_space<vmem>>, vector<8x256x128xi32>,
    } else {
    }
    %eq3A_7 = arith.constant 2 : i32
    %eq3A_8 = arith.cmpi eq, %arg0, %eq3A_7 : i32
    %convert_element_type3A_9 = arith.extui %eq3A_8 : i1 to i32
    %cond3A_10 = arith.constant 0 : i32
    %cond3A_11 = arith.cmpi ne, %convert_element_type3A_9, %cond3A_10 : i32
    scf.if %cond3A_11 {
      %get3A = arith.constant 0 : index
      %get3A_17 = arith.constant 0 : index
      %get3A_18 = arith.constant 0 : index
      %get3A_19 = vector.load %arg3[%get3A, %get3A_17, %get3A_18] : memref<1x512x512xf32, #tpu.memory_space<vmem>>, vector<1x512x512xf32>
      %get3A_20 = vector.shape_cast %get3A_19 : vector<1x512x512xf32> to vector<512x512xf32>
      %convert_element_type3A_21 = arith.truncf %get3A_20 : vector<512x512xf32> to vector<512x512xbf16>
      %convert_element_type3A_22 = arith.extf %convert_element_type3A_21 : vector<512x512xbf16> to vector<512x512xf32>
      %slice3A = vector.extract_strided_slice %convert_element_type3A_22 {offsets = [0, 0], sizes = [511, 512], strides = [1, 1]} : vector<512x512xf32> to vector<511x512xf32>
      %jit3A = arith.constant 0 : i32
      %convert_element_type3A_23 = arith.sitofp %jit3A : i32 to f32
      %pad3A = vector.broadcast %convert_element_type3A_23 : f32 to vector<1x512xf32>
      %pad3A_24 = tpu.concatenate %pad3A, %slice3A in 0 : vector<1x512xf32>, vector<511x512xf32> -> vector<512x512xf32>
      %slice3A_25 = vector.extract_strided_slice %convert_element_type3A_22 {offsets = [1, 0], sizes = [511, 512], strides = [1, 1]} : vector<512x512xf32> to vector<511x512xf32>
      %jit3A_26 = arith.constant 0 : i32
      %convert_element_type3A_27 = arith.sitofp %jit3A_26 : i32 to f32
      %pad3A_28 = vector.broadcast %convert_element_type3A_27 : f32 to vector<1x512xf32>
      %pad3A_29 = tpu.concatenate %slice3A_25, %pad3A_28 in 0 : vector<511x512xf32>, vector<1x512xf32> -> vector<512x512xf32>
      %mul3A = arith.constant 2.000000e+00 : f32
      %mul3A_30 = vector.broadcast %mul3A : f32 to vector<512x512xf32>
      %mul3A_31 = arith.mulf %mul3A_30, %convert_element_type3A_22 : vector<512x512xf32>
      %add3A = arith.addf %pad3A_24, %mul3A_31 : vector<512x512xf32>
      %add3A_32 = arith.addf %add3A, %pad3A_29 : vector<512x512xf32>
      %sub3A = arith.subf %pad3A_29, %pad3A_24 : vector<512x512xf32>
      %slice3A_33 = vector.extract_strided_slice %add3A_32 {offsets = [0, 1], sizes = [512, 511], strides = [1, 1]} : vector<512x512xf32> to vector<512x511xf32>
      %jit3A_34 = arith.constant 0 : i32
      %convert_element_type3A_35 = arith.sitofp %jit3A_34 : i32 to f32
      %pad3A_36 = vector.broadcast %convert_element_type3A_35 : f32 to vector<512x1xf32>
      %pad3A_37 = tpu.concatenate %slice3A_33, %pad3A_36 in 1 : vector<512x511xf32>, vector<512x1xf32> -> vector<512x512xf32>
      %slice3A_38 = vector.extract_strided_slice %add3A_32 {offsets = [0, 0], sizes = [512, 511], strides = [1, 1]} : vector<512x512xf32> to vector<512x511xf32>
      %jit3A_39 = arith.constant 0 : i32
      %convert_element_type3A_40 = arith.sitofp %jit3A_39 : i32 to f32
      %pad3A_41 = vector.broadcast %convert_element_type3A_40 : f32 to vector<512x1xf32>
      %pad3A_42 = tpu.concatenate %pad3A_41, %slice3A_38 in 1 : vector<512x1xf32>, vector<512x511xf32> -> vector<512x512xf32>
      %sub3A_43 = arith.subf %pad3A_37, %pad3A_42 : vector<512x512xf32>
      %slice3A_44 = vector.extract_strided_slice %sub3A {offsets = [0, 0], sizes = [512, 511], strides = [1, 1]} : vector<512x512xf32> to vector<512x511xf32>
      %jit3A_45 = arith.constant 0 : i32
      %convert_element_type3A_46 = arith.sitofp %jit3A_45 : i32 to f32
      %pad3A_47 = vector.broadcast %convert_element_type3A_46 : f32 to vector<512x1xf32>
      %pad3A_48 = tpu.concatenate %pad3A_47, %slice3A_44 in 1 : vector<512x1xf32>, vector<512x511xf32> -> vector<512x512xf32>
      %mul3A_49 = arith.constant 2.000000e+00 : f32
      %mul3A_50 = vector.broadcast %mul3A_49 : f32 to vector<512x512xf32>
      %mul3A_51 = arith.mulf %mul3A_50, %sub3A : vector<512x512xf32>
      %add3A_52 = arith.addf %pad3A_48, %mul3A_51 : vector<512x512xf32>
      %slice3A_53 = vector.extract_strided_slice %sub3A {offsets = [0, 1], sizes = [512, 511], strides = [1, 1]} : vector<512x512xf32> to vector<512x511xf32>
      %jit3A_54 = arith.constant 0 : i32
      %convert_element_type3A_55 = arith.sitofp %jit3A_54 : i32 to f32
      %pad3A_56 = vector.broadcast %convert_element_type3A_55 : f32 to vector<512x1xf32>
      %pad3A_57 = tpu.concatenate %slice3A_53, %pad3A_56 in 1 : vector<512x511xf32>, vector<512x1xf32> -> vector<512x512xf32>
      %add3A_58 = arith.addf %add3A_52, %pad3A_57 : vector<512x512xf32>
      %mul3A_59 = arith.mulf %sub3A_43, %sub3A_43 : vector<512x512xf32>
      %mul3A_60 = arith.mulf %add3A_58, %add3A_58 : vector<512x512xf32>
      %add3A_61 = arith.addf %mul3A_59, %mul3A_60 : vector<512x512xf32>
      %sqrt3A = math.sqrt %add3A_61 : vector<512x512xf32>
      %mul3A_62 = arith.constant 2.550000e+02 : f32
      %mul3A_63 = vector.broadcast %mul3A_62 : f32 to vector<512x512xf32>
      %mul3A_64 = arith.mulf %sqrt3A, %mul3A_63 : vector<512x512xf32>
      %floor3A = math.floor %mul3A_64 : vector<512x512xf32>
      %convert_element_type3A_65 = arith.fptosi %floor3A : vector<512x512xf32> to vector<512x512xi32>
      %jit3A_66 = arith.constant 256 : i32
      %eq3A_67 = arith.constant 0 : i32
      %eq3A_68 = arith.cmpi eq, %jit3A_66, %eq3A_67 : i32
      %jit3A_69 = arith.constant 1 : i32
      %select_n3A = arith.select %eq3A_68, %jit3A_69, %jit3A_66 : i32
      %rem3A = vector.broadcast %select_n3A : i32 to vector<512x512xi32>
      %rem3A_70 = arith.remsi %convert_element_type3A_65, %rem3A : vector<512x512xi32>
      %ne3A = arith.constant 0 : i32
      %ne3A_71 = vector.broadcast %ne3A : i32 to vector<512x512xi32>
      %ne3A_72 = arith.cmpi ne, %rem3A_70, %ne3A_71 : vector<512x512xi32>
      %lt3A = arith.constant 0 : i32
      %lt3A_73 = vector.broadcast %lt3A : i32 to vector<512x512xi32>
      %lt3A_74 = arith.cmpi slt, %rem3A_70, %lt3A_73 : vector<512x512xi32>
      %lt3A_75 = arith.constant 0 : i32
      %lt3A_76 = arith.cmpi slt, %select_n3A, %lt3A_75 : i32
      %ne3A_77 = vector.broadcast %lt3A_76 : i1 to vector<512x512xi1>
      %ne3A_78 = vector.broadcast %ne3A_77 : vector<512x512xi1> to vector<512x512xi1>
      %ne3A_79 = arith.xori %lt3A_74, %ne3A_78 : vector<512x512xi1>
      %and3A = arith.andi %ne3A_79, %ne3A_72 : vector<512x512xi1>
      %add3A_80 = vector.broadcast %select_n3A : i32 to vector<512x512xi32>
      %add3A_81 = arith.addi %rem3A_70, %add3A_80 : vector<512x512xi32>
      %select_n3A_82 = arith.select %and3A, %add3A_81, %rem3A_70 : vector<512x512xi1>, vector<512x512xi32>
      %slice3A_83 = vector.extract_strided_slice %select_n3A_82 {offsets = [0, 1], sizes = [512, 511], strides = [1, 1]} : vector<512x512xi32> to vector<512x511xi32>
      %jit3A_84 = arith.constant 0 : i32
      %pad3A_85 = vector.broadcast %jit3A_84 : i32 to vector<512x1xi32>
      %pad3A_86 = tpu.concatenate %slice3A_83, %pad3A_85 in 1 : vector<512x511xi32>, vector<512x1xi32> -> vector<512x512xi32>
      %iota3A = tpu.iota {dimensions = array<i32: 1>} : vector<512x512xi32>
      %lt3A_87 = arith.constant 511 : i32
      %lt3A_88 = vector.broadcast %lt3A_87 : i32 to vector<512x512xi32>
      %lt3A_89 = arith.cmpi slt, %iota3A, %lt3A_88 : vector<512x512xi32>
      %mul3A_90 = arith.constant 256 : i32
      %mul3A_91 = vector.broadcast %mul3A_90 : i32 to vector<512x512xi32>
      %mul3A_92 = arith.muli %select_n3A_82, %mul3A_91 : vector<512x512xi32>
      %add3A_93 = arith.addi %mul3A_92, %pad3A_86 : vector<512x512xi32>
      %jit3A_94 = arith.constant 0 : i32
      %broadcast_in_dim3A = vector.broadcast %jit3A_94 : i32 to vector<512x512xi32>
      %select_n3A_95 = arith.select %lt3A_89, %add3A_93, %broadcast_in_dim3A : vector<512x512xi1>, vector<512x512xi32>
      %reshape3A = vector.shape_cast %select_n3A_95 : vector<512x512xi32> to vector<8x256x128xi32>
      %swap3A = arith.constant 0 : index
      %swap3A_96 = arith.constant 0 : index
      %swap3A_97 = arith.constant 0 : index
      %swap3A_98 = vector.load %arg5[%swap3A, %swap3A_96, %swap3A_97] : memref<8x256x128xi32, #tpu.memory_space<vmem>>, vector<8x256x128xi32>
      tpu.vector_store %arg5[%swap3A, %swap3A_96, %swap3A_97], %reshape3A {strides = array<i32>} : memref<8x256x128xi32, #tpu.memory_space<vmem>>, vector<8x256x128xi32>,
    } else {
    }
    %eq3A_12 = arith.constant 3 : i32
    %eq3A_13 = arith.cmpi eq, %arg0, %eq3A_12 : i32
    %convert_element_type3A_14 = arith.extui %eq3A_13 : i1 to i32
    %cond3A_15 = arith.constant 0 : i32
    %cond3A_16 = arith.cmpi ne, %convert_element_type3A_14, %cond3A_15 : i32
    scf.if %cond3A_16 {
      %get3A = arith.constant 0 : index
      %get3A_17 = arith.constant 0 : index
      %get3A_18 = arith.constant 0 : index
      %get3A_19 = vector.load %arg4[%get3A, %get3A_17, %get3A_18] : memref<1x512x512xf32, #tpu.memory_space<vmem>>, vector<1x512x512xf32>
      %get3A_20 = vector.shape_cast %get3A_19 : vector<1x512x512xf32> to vector<512x512xf32>
      %convert_element_type3A_21 = arith.truncf %get3A_20 : vector<512x512xf32> to vector<512x512xbf16>
      %convert_element_type3A_22 = arith.extf %convert_element_type3A_21 : vector<512x512xbf16> to vector<512x512xf32>
      %slice3A = vector.extract_strided_slice %convert_element_type3A_22 {offsets = [0, 0], sizes = [511, 512], strides = [1, 1]} : vector<512x512xf32> to vector<511x512xf32>
      %jit3A = arith.constant 0 : i32
      %convert_element_type3A_23 = arith.sitofp %jit3A : i32 to f32
      %pad3A = vector.broadcast %convert_element_type3A_23 : f32 to vector<1x512xf32>
      %pad3A_24 = tpu.concatenate %pad3A, %slice3A in 0 : vector<1x512xf32>, vector<511x512xf32> -> vector<512x512xf32>
      %slice3A_25 = vector.extract_strided_slice %convert_element_type3A_22 {offsets = [1, 0], sizes = [511, 512], strides = [1, 1]} : vector<512x512xf32> to vector<511x512xf32>
      %jit3A_26 = arith.constant 0 : i32
      %convert_element_type3A_27 = arith.sitofp %jit3A_26 : i32 to f32
      %pad3A_28 = vector.broadcast %convert_element_type3A_27 : f32 to vector<1x512xf32>
      %pad3A_29 = tpu.concatenate %slice3A_25, %pad3A_28 in 0 : vector<511x512xf32>, vector<1x512xf32> -> vector<512x512xf32>
      %mul3A = arith.constant 2.000000e+00 : f32
      %mul3A_30 = vector.broadcast %mul3A : f32 to vector<512x512xf32>
      %mul3A_31 = arith.mulf %mul3A_30, %convert_element_type3A_22 : vector<512x512xf32>
      %add3A = arith.addf %pad3A_24, %mul3A_31 : vector<512x512xf32>
      %add3A_32 = arith.addf %add3A, %pad3A_29 : vector<512x512xf32>
      %sub3A = arith.subf %pad3A_29, %pad3A_24 : vector<512x512xf32>
      %slice3A_33 = vector.extract_strided_slice %add3A_32 {offsets = [0, 1], sizes = [512, 511], strides = [1, 1]} : vector<512x512xf32> to vector<512x511xf32>
      %jit3A_34 = arith.constant 0 : i32
      %convert_element_type3A_35 = arith.sitofp %jit3A_34 : i32 to f32
      %pad3A_36 = vector.broadcast %convert_element_type3A_35 : f32 to vector<512x1xf32>
      %pad3A_37 = tpu.concatenate %slice3A_33, %pad3A_36 in 1 : vector<512x511xf32>, vector<512x1xf32> -> vector<512x512xf32>
      %slice3A_38 = vector.extract_strided_slice %add3A_32 {offsets = [0, 0], sizes = [512, 511], strides = [1, 1]} : vector<512x512xf32> to vector<512x511xf32>
      %jit3A_39 = arith.constant 0 : i32
      %convert_element_type3A_40 = arith.sitofp %jit3A_39 : i32 to f32
      %pad3A_41 = vector.broadcast %convert_element_type3A_40 : f32 to vector<512x1xf32>
      %pad3A_42 = tpu.concatenate %pad3A_41, %slice3A_38 in 1 : vector<512x1xf32>, vector<512x511xf32> -> vector<512x512xf32>
      %sub3A_43 = arith.subf %pad3A_37, %pad3A_42 : vector<512x512xf32>
      %slice3A_44 = vector.extract_strided_slice %sub3A {offsets = [0, 0], sizes = [512, 511], strides = [1, 1]} : vector<512x512xf32> to vector<512x511xf32>
      %jit3A_45 = arith.constant 0 : i32
      %convert_element_type3A_46 = arith.sitofp %jit3A_45 : i32 to f32
      %pad3A_47 = vector.broadcast %convert_element_type3A_46 : f32 to vector<512x1xf32>
      %pad3A_48 = tpu.concatenate %pad3A_47, %slice3A_44 in 1 : vector<512x1xf32>, vector<512x511xf32> -> vector<512x512xf32>
      %mul3A_49 = arith.constant 2.000000e+00 : f32
      %mul3A_50 = vector.broadcast %mul3A_49 : f32 to vector<512x512xf32>
      %mul3A_51 = arith.mulf %mul3A_50, %sub3A : vector<512x512xf32>
      %add3A_52 = arith.addf %pad3A_48, %mul3A_51 : vector<512x512xf32>
      %slice3A_53 = vector.extract_strided_slice %sub3A {offsets = [0, 1], sizes = [512, 511], strides = [1, 1]} : vector<512x512xf32> to vector<512x511xf32>
      %jit3A_54 = arith.constant 0 : i32
      %convert_element_type3A_55 = arith.sitofp %jit3A_54 : i32 to f32
      %pad3A_56 = vector.broadcast %convert_element_type3A_55 : f32 to vector<512x1xf32>
      %pad3A_57 = tpu.concatenate %slice3A_53, %pad3A_56 in 1 : vector<512x511xf32>, vector<512x1xf32> -> vector<512x512xf32>
      %add3A_58 = arith.addf %add3A_52, %pad3A_57 : vector<512x512xf32>
      %mul3A_59 = arith.mulf %sub3A_43, %sub3A_43 : vector<512x512xf32>
      %mul3A_60 = arith.mulf %add3A_58, %add3A_58 : vector<512x512xf32>
      %add3A_61 = arith.addf %mul3A_59, %mul3A_60 : vector<512x512xf32>
      %sqrt3A = math.sqrt %add3A_61 : vector<512x512xf32>
      %mul3A_62 = arith.constant 2.550000e+02 : f32
      %mul3A_63 = vector.broadcast %mul3A_62 : f32 to vector<512x512xf32>
      %mul3A_64 = arith.mulf %sqrt3A, %mul3A_63 : vector<512x512xf32>
      %floor3A = math.floor %mul3A_64 : vector<512x512xf32>
      %convert_element_type3A_65 = arith.fptosi %floor3A : vector<512x512xf32> to vector<512x512xi32>
      %jit3A_66 = arith.constant 256 : i32
      %eq3A_67 = arith.constant 0 : i32
      %eq3A_68 = arith.cmpi eq, %jit3A_66, %eq3A_67 : i32
      %jit3A_69 = arith.constant 1 : i32
      %select_n3A = arith.select %eq3A_68, %jit3A_69, %jit3A_66 : i32
      %rem3A = vector.broadcast %select_n3A : i32 to vector<512x512xi32>
      %rem3A_70 = arith.remsi %convert_element_type3A_65, %rem3A : vector<512x512xi32>
      %ne3A = arith.constant 0 : i32
      %ne3A_71 = vector.broadcast %ne3A : i32 to vector<512x512xi32>
      %ne3A_72 = arith.cmpi ne, %rem3A_70, %ne3A_71 : vector<512x512xi32>
      %lt3A = arith.constant 0 : i32
      %lt3A_73 = vector.broadcast %lt3A : i32 to vector<512x512xi32>
      %lt3A_74 = arith.cmpi slt, %rem3A_70, %lt3A_73 : vector<512x512xi32>
      %lt3A_75 = arith.constant 0 : i32
      %lt3A_76 = arith.cmpi slt, %select_n3A, %lt3A_75 : i32
      %ne3A_77 = vector.broadcast %lt3A_76 : i1 to vector<512x512xi1>
      %ne3A_78 = vector.broadcast %ne3A_77 : vector<512x512xi1> to vector<512x512xi1>
      %ne3A_79 = arith.xori %lt3A_74, %ne3A_78 : vector<512x512xi1>
      %and3A = arith.andi %ne3A_79, %ne3A_72 : vector<512x512xi1>
      %add3A_80 = vector.broadcast %select_n3A : i32 to vector<512x512xi32>
      %add3A_81 = arith.addi %rem3A_70, %add3A_80 : vector<512x512xi32>
      %select_n3A_82 = arith.select %and3A, %add3A_81, %rem3A_70 : vector<512x512xi1>, vector<512x512xi32>
      %slice3A_83 = vector.extract_strided_slice %select_n3A_82 {offsets = [0, 1], sizes = [512, 511], strides = [1, 1]} : vector<512x512xi32> to vector<512x511xi32>
      %jit3A_84 = arith.constant 0 : i32
      %pad3A_85 = vector.broadcast %jit3A_84 : i32 to vector<512x1xi32>
      %pad3A_86 = tpu.concatenate %slice3A_83, %pad3A_85 in 1 : vector<512x511xi32>, vector<512x1xi32> -> vector<512x512xi32>
      %iota3A = tpu.iota {dimensions = array<i32: 1>} : vector<512x512xi32>
      %lt3A_87 = arith.constant 511 : i32
      %lt3A_88 = vector.broadcast %lt3A_87 : i32 to vector<512x512xi32>
      %lt3A_89 = arith.cmpi slt, %iota3A, %lt3A_88 : vector<512x512xi32>
      %mul3A_90 = arith.constant 256 : i32
      %mul3A_91 = vector.broadcast %mul3A_90 : i32 to vector<512x512xi32>
      %mul3A_92 = arith.muli %select_n3A_82, %mul3A_91 : vector<512x512xi32>
      %add3A_93 = arith.addi %mul3A_92, %pad3A_86 : vector<512x512xi32>
      %jit3A_94 = arith.constant 0 : i32
      %broadcast_in_dim3A = vector.broadcast %jit3A_94 : i32 to vector<512x512xi32>
      %select_n3A_95 = arith.select %lt3A_89, %add3A_93, %broadcast_in_dim3A : vector<512x512xi1>, vector<512x512xi32>
      %reshape3A = vector.shape_cast %select_n3A_95 : vector<512x512xi32> to vector<8x256x128xi32>
      %swap3A = arith.constant 0 : index
      %swap3A_96 = arith.constant 0 : index
      %swap3A_97 = arith.constant 0 : index
      %swap3A_98 = vector.load %arg5[%swap3A, %swap3A_96, %swap3A_97] : memref<8x256x128xi32, #tpu.memory_space<vmem>>, vector<8x256x128xi32>
      tpu.vector_store %arg5[%swap3A, %swap3A_96, %swap3A_97], %reshape3A {strides = array<i32>} : memref<8x256x128xi32, #tpu.memory_space<vmem>>, vector<8x256x128xi32>,
    } else {
    }
    return
  }
  func.func @transform_0(%arg0: i32) -> (i32, i32, i32) {
    %c0_i32 = arith.constant 0 : i32
    %c0_i32_0 = arith.constant 0 : i32
    %c0_i32_1 = arith.constant 0 : i32
    %c0_i32_2 = arith.constant 0 : i32
    return %c0_i32, %c0_i32_0, %c0_i32_1 : i32, i32, i32
  }
  func.func @transform_1(%arg0: i32) -> (i32, i32, i32) {
    %c0_i32 = arith.constant 0 : i32
    %c0_i32_0 = arith.constant 0 : i32
    %c0_i32_1 = arith.constant 0 : i32
    %c0_i32_2 = arith.constant 0 : i32
    return %c0_i32, %c0_i32_0, %c0_i32_1 : i32, i32, i32
  }
  func.func @transform_2(%arg0: i32) -> (i32, i32, i32) {
    %c0_i32 = arith.constant 0 : i32
    %c0_i32_0 = arith.constant 0 : i32
    %c0_i32_1 = arith.constant 0 : i32
    %c0_i32_2 = arith.constant 0 : i32
    return %c0_i32, %c0_i32_0, %c0_i32_1 : i32, i32, i32
  }
  func.func @transform_3(%arg0: i32) -> (i32, i32, i32) {
    %c0_i32 = arith.constant 0 : i32
    %c0_i32_0 = arith.constant 0 : i32
    %c0_i32_1 = arith.constant 0 : i32
    %c0_i32_2 = arith.constant 0 : i32
    return %c0_i32, %c0_i32_0, %c0_i32_1 : i32, i32, i32
  }
  func.func @transform_4(%arg0: i32) -> (i32, i32, i32) {
    %c0_i32 = arith.constant 0 : i32
    %c0_i32_0 = arith.constant 0 : i32
    %c0_i32_1 = arith.constant 0 : i32
    return %arg0, %c0_i32, %c0_i32_0 : i32, i32, i32
  }
}

</mosaic_0001>

<sc_bundles>
// kernel: kernel.5.cloned.1.call-start
scs
__scs_entry_jumppad:
0x0: {  	(pc) =	sbr.rel $0x88, $3  }
0x1: {  	(tag) =	ssettag $0x0;
	lr =	simm.s32 $0x1  }
0x2: {  	[smem:$0x3F9D] =	sst lr;
	_ =	strace $0xD0000000  }
0x3: {  	_ = 	snop  }
0x4: {  	_ = 	snop  }
0x5: {  	_ = 	snop  }
0x6: {  	_ = 	snop  }
0x7: {  	_ = 	snop  }
__scs_overlays_trampoline_lowered:
0x8: {  	[smem:$0x3FAC] =	sst s0  }
0x9: {  	[smem:$0x3FAD] =	sst s1  }
0xa: {  	[smem:$0x3FAE] =	sst s2  }
0xb: {  	[smem:$0x3FAF] =	sst s3  }
0xc: {  	[smem:$0x3FB0] =	sst s4  }
0xd: {  	[smem:$0x3FB1] =	sst s5  }
0xe: {  	[smem:$0x3FB2] =	sst s6  }
0xf: {  	[smem:$0x3FB3] =	sst s7  }
0x10: {  	[smem:$0x3FB4] =	sst s8  }
0x11: {  	[smem:$0x3FB5] =	sst s9;
	s0 =	simm.s32 @!p0 $0x0  }
0x12: {  	s1 =	sld [smem:$0x3F9B];
	s0 =	simm.s32 @p0 $0x1  }
0x13: {  	[smem:$0x3FB6] =	sst s0;
	s0 =	simm.s32 @!p1 $0x0  }
0x14: {  	s2 =	sld [smem:$0x3F9A];
	s0 =	simm.s32 @p1 $0x1  }
0x15: {  	[smem:$0x3FB7] =	sst s0;
	s0 =	simm.s32 @!p2 $0x0  }
0x16: {  	s3 =	sld [smem:$0x3FDB];
	s0 =	simm.s32 @p2 $0x1  }
0x17: {  	s4 =	simm.s32 $0x1BF5;
	[smem:$0x3FB9] =	sst s0  }
0x18: {  	s0 =	sld [smem:$0x3F9C];
	_ =	swait.ge [sflag:s4], $0x0  }
0x19: {  	s7 =	sld [smem:$0x3F9D]  }
0x1a: {  	s8 =	sadd.s32 $0xFFFFE003, lr  }
0x1b: {  	s9 =	sadd.s32 $0xFFFFFEF7, lr;
	s5 =	simm.s32 $0xFFFFFFFF;
	p2 =	slt.u32 s8, $0xFFFFF086  }
0x1c: {  	p1 =	slt.u32 s9, $0xF7A;
	s5 =	simm.s32 @!p2 $0x0  }
0x1d: {  	s5 =	simm.s32 @p1 $0x1;
	p0 =	seq.s32 s7, s2  }
0x1e: {  	s7 =	smul.u32 @!p0 $0xF7A, s2;
	p2 =	seq.s32 @!p0 s5, $0x0  }
0x1f: {  	s9 =	smul.u32 $0xF7A, s1;
	s8 =	simm.s32 @!p0 $0x1BF5;
	p2 =	por !p2, p0  }
0x20: {  	[sflag:s8] =	ssyncset.s32 @!p0 $0xFFFFF086;
	s6 =	sadd.s32 @!p0 s3, s7;
	s7 =	simm.s32 @!p0 $0x108  }
0x21: {  	s3 =	sadd.s32 s3, s9;
	s6 =	sadd.s32 @!p0 $0x88, s6;
	s7 =	simm.s32 @p2 $0x1082  }
0x22: {  	[simem:s7], [sflag:s8] =	dma.local @!p0 [hbm:s6], $0xF7A  }
0x23: {  	s9 =	sor.u32 $0xD0000000, s2;
	s6 =	simm.s32 $0x108;
	_ =	swait.ge @!p0 [sflag:s8], $0x0  }
0x24: {  	s3 =	sadd.s32 $0x88, s3;
	s6 =	simm.s32 @!p1 $0x1082;
	[sflag:s4] =	ssyncset.s32 $0xFFFFF086  }
0x25: {  	[simem:s6], [sflag:s4] =	dma.local [hbm:s3], $0xF7A  }
0x26: {  	[smem:$0x3F9D] =	sst s1;
	(tag) =	ssettag s2;
	_ =	strace s9  }
0x27: {  	s1 =	sld [smem:$0x3FAD]  }
0x28: {  	s2 =	sld [smem:$0x3FAE]  }
0x29: {  	s4 =	sld [smem:$0x3FB0]  }
0x2a: {  	p0 =	seq.s32 s5, $0x0;
	s5 =	sld [smem:$0x3FB1]  }
0x2b: {  	s6 =	sld [smem:$0x3FB2]  }
0x2c: {  	s7 =	sld [smem:$0x3FB3]  }
0x2d: {  	s3 =	simm.s32 $0x108;
	s8 =	sld [smem:$0x3FB4]  }
0x2e: {  	s3 =	simm.s32 @!p0 $0x1082;
	s9 =	sld [smem:$0x3FB5]  }
0x2f: {  	lr =	sadd.s32 s0, s3;
	s0 =	sld [smem:$0x3FAC]  }
0x30: {  	s3 =	sld [smem:$0x3FAF]  }
0x31: {  	[smem:$0x3FB8] =	sst s10  }
0x32: {  	s10 =	sld [smem:$0x3FB6];
	_ =	sdelay $0x3  }
0x33: {  	p0 =	seq.s32 s10, $0x1;
	s10 =	sld [smem:$0x3FB8];
	_ =	sdelay $0x3  }
0x34: {  	[smem:$0x3FB8] =	sst s10  }
0x35: {  	s10 =	sld [smem:$0x3FB7];
	_ =	sdelay $0x3  }
0x36: {  	p1 =	seq.s32 s10, $0x1;
	s10 =	sld [smem:$0x3FB8];
	_ =	sdelay $0x3  }
0x37: {  	[smem:$0x3FB8] =	sst s10  }
0x38: {  	s10 =	sld [smem:$0x3FB9]  }
0x39: {  	_ = 	snop;
	(pc) =	sbr.ind lr, $3  }
0x3a: {  	_ = 	snop  }
0x3b: {  	_ = 	snop  }
0x3c: {  	p2 =	seq.s32 s10, $0x1;
	s10 =	sld [smem:$0x3FB8]  }
0x3d: {  	_ =	shalt  }
0x3e: {  	_ =	shalt  }
0x3f: {  	_ =	shalt  }
0x40: {  	_ =	shalt  }
0x41: {  	_ =	shalt  }
0x42: {  	_ =	shalt  }
0x43: {  	_ =	shalt  }
0x44: {  	_ =	shalt  }
0x45: {  	_ =	shalt  }
0x46: {  	_ =	shalt  }
0x47: {  	_ =	shalt  }
0x48: {  	_ =	shalt  }
0x49: {  	_ =	shalt  }
0x4a: {  	_ =	shalt  }
0x4b: {  	_ =	shalt  }
0x4c: {  	_ =	shalt  }
0x4d: {  	_ =	shalt  }
0x4e: {  	_ =	shalt  }
0x4f: {  	_ =	shalt  }
0x50: {  	_ =	shalt  }
0x51: {  	_ =	shalt  }
0x52: {  	_ =	shalt  }
0x53: {  	_ =	shalt  }
0x54: {  	_ =	shalt  }
0x55: {  	_ =	shalt  }
0x56: {  	_ =	shalt  }
0x57: {  	_ =	shalt  }
0x58: {  	_ =	shalt  }
0x59: {  	_ =	shalt  }
0x5a: {  	_ =	shalt  }
0x5b: {  	_ =	shalt  }
0x5c: {  	_ =	shalt  }
0x5d: {  	_ =	shalt  }
0x5e: {  	_ =	shalt  }
0x5f: {  	_ =	shalt  }
0x60: {  	_ =	shalt  }
0x61: {  	_ =	shalt  }
0x62: {  	_ =	shalt  }
0x63: {  	_ =	shalt  }
0x64: {  	_ =	shalt  }
0x65: {  	_ =	shalt  }
0x66: {  	_ =	shalt  }
0x67: {  	_ =	shalt  }
0x68: {  	_ =	shalt  }
0x69: {  	_ =	shalt  }
0x6a: {  	_ =	shalt  }
0x6b: {  	_ =	shalt  }
0x6c: {  	_ =	shalt  }
0x6d: {  	_ =	shalt  }
0x6e: {  	_ =	shalt  }
0x6f: {  	_ =	shalt  }
0x70: {  	_ =	shalt  }
0x71: {  	_ =	shalt  }
0x72: {  	_ =	shalt  }
0x73: {  	_ =	shalt  }
0x74: {  	_ =	shalt  }
0x75: {  	_ =	shalt  }
0x76: {  	_ =	shalt  }
0x77: {  	_ =	shalt  }
0x78: {  	_ =	shalt  }
0x79: {  	_ =	shalt  }
0x7a: {  	_ =	shalt  }
0x7b: {  	_ =	shalt  }
0x7c: {  	_ =	shalt  }
0x7d: {  	_ =	shalt  }
0x7e: {  	_ =	shalt  }
0x7f: {  	_ =	shalt  }
0x80: {  	_ =	shalt  }
0x81: {  	_ =	shalt  }
0x82: {  	_ =	shalt  }
0x83: {  	_ =	shalt  }
0x84: {  	_ =	shalt  }
0x85: {  	_ =	shalt  }
0x86: {  	_ =	shalt  }
0x87: {  	_ =	shalt  }
.Lfunc_end0:
.L_simem_size_0:
called_computation_lowered:
.L_overlay_start_0:
0x88: {  	s2 =	sld [smem:$0x3FD9]  }
0x89: {  	s3 =	sld [smem:$0x3FFE];
	_ =	sdelay $0x1  }
0x8a: {  	s1 =	srdreg.scid  }
0x8b: {  	s0 =	sand.u32 $0x1, s1  }
0x8c: {  	s16 =	sshll.u32 s0, $0xA;
	s2 =	sadd.s32 s3, s2  }
0x8d: {  	s2 =	sadd.s32 s2, s16  }
0x8e: {  	[smem:$0x3FC4] =	sst s2  }
0x8f: {  	_ = 	snop  }
0x90: {  	(tm) =	ssettm $0x1  }
0x91: {  	s17 =	sld [smem:$0x3FFB];
	_ =	sdelay $0x3  }
0x92: {  	_ =	strace s17  }
0x93: {  	s2 =	sld [smem:$0x3FFC];
	_ =	sdelay $0x3  }
0x94: {  	_ =	strace s2  }
0x95: {  	s2 =	sld [smem:$0x3FFD];
	_ =	sdelay $0x3  }
0x96: {  	_ =	strace s2  }
0x97: {  	_ =	strace $0x8FFFFFFF  }
0x98: {  	s18 =	sld [smem:$0x3FDB];
	_ =	sdelay $0x1  }
0x99: {  	s19 =	simm.s32 $_scs_section_size  }
0x9a: {  	s4 =	simm.s32 $_size__tile_overlayer_lowered;
	s5 =	simm.s32 $_tile_overlayer_lowered  }
0x9b: {  	s22 =	simm.s32 $0x1BFF;
	s21 =	sshll.u32 s5, $0x1;
	s2 =	sadd.s32 s19, s18  }
0x9c: {  	s6 =	simm.s32 $0x0;
	s20 =	sshll.u32 s4, $0x1;
	s4 =	sadd.s32 s21, s2  }
0x9d: {  	[timem:s6], [sflag:s22] =	dma.local [hbm:s4], s20  }
0x9e: {  	_ =	swait.ge [sflag:s22], s20  }
0x9f: {  	s3 =	ssub.s32 $0x0, s20;
	[sflag:s22] =	ssyncset.done $0x0  }
0xa0: {  	[sflag:s22] =	ssyncadd.s32 s3;
	_ =	sdelay $0x1  }
0xa1: {  	s23 =	simm.s32 $0x1B8B  }
0xa2: {  	_ =	swait.ge [sflag:s23], $0x1  }
0xa3: {  	[sflag:s23] =	ssyncset.done $0x0  }
0xa4: {  	s25 =	simm.s32 $0x1B8E;
	s24 =	sld [smem:$0x3FFE];
	[sflag:s23] =	ssyncadd.s32 $0xFFFFFFFF  }
0xa5: {  	s26 =	simm.s32 $execute0_lowered;
	[smem:$0x3FD2] =	sst s25  }
0xa6: {  	s4 =	sshll.u32 s26, $0x1;
	_ =	strace $0x80000046;
	[dreg:$0x1] =	wrdreg $0xFFFFFFFF  }
0xa7: {  	s28 =	simm.s32 $_size_execute0_lowered;
	s2 =	sadd.s32 s2, s4;
	[dreg:$0x0] =	wrdreg $0x0  }
0xa8: {  	s4 =	sshll.u32 s28, $0x1;
	[dreg:$0x2] =	wrdreg s2  }
0xa9: {  	[dreg:$0x3] =	wrdreg s4  }
0xaa: {  	[dreg:$0x4] =	wrdreg $0xC0  }
0xab: {  	_ =	task [dreg:s6], $0x5FFFF  }
0xac: {  	[dreg:$0x1] =	wrdreg $0xFFFFFFFF  }
0xad: {  	[dreg:$0x0] =	wrdreg $0x60  }
0xae: {  	[dreg:$0x2] =	wrdreg s24  }
0xaf: {  	[dreg:$0x3] =	wrdreg $0x80800  }
0xb0: {  	[dreg:$0x4] =	wrdreg $0x9  }
0xb1: {  	_ =	task.clear_ibuf [dreg:s6], $0x5FFFF;
	_ =	strace $0x90000046  }
0xb2: {  	s29 =	simm.s32 $0x9;
	_ =	strace $0x80000048  }
0xb3: {  	_ =	swait.ge [sflag:s29], $0x1  }
0xb4: {  	[sflag:s29] =	ssyncadd.s32 $0xFFFFFFFF  }
0xb5: {  	_ =	strace $0x90000048  }
0xb6: {  	_ =	sfence  }
0xb7: {  	s30 =	sld [smem:$0x0];
	_ =	sdelay $0x2  }
0xb8: {  	s31 =	sshll.u32 s1, $0xD;
	s1 =	sshrl.u32 s1, $0x2  }
0xb9: {  	s3 =	sand.u32 $0x4000, s31;
	s1 =	sadd.s32 s1, s30  }
0xba: {  	s0 =	sor.u32 s3, s0;
	s1 =	sshll.u32 s1, $0x11  }
0xbb: {  	s0 =	sor.u32 s1, s0  }
0xbc: {  	s0 =	sadd.s32 $0x8F2B, s0  }
0xbd: {  	[sflag:s0] =	ssyncadd.remote.s32 $0x1  }
0xbe: {  	_ =	sfence.sel $0xFFFF  }
0xbf: {  	[dreg:$0x0] =	wrdreg $0xFFFFFFFF;
	(pc) =	sbr.abs _section_cstart, $3  }
0xc0: {  	[dreg:$0x1] =	wrdreg $0xFFFFFFFF  }
0xc1: {  	_ =	task.clear_ibuf [dreg:s6], $0x2FFFF;
	_ =	strace $0x9FFFFFFF  }
0xc2: {  	(tm) =	ssettm $0x7FFFFFFF  }
0xc3: {  	_ =	shalt  }
tec
execute0_lowered:
.L_overlay_start_1:
0x0: {  	(tag) =	ssettag $0x1  }
0x1: {  	s4 =	rddreg [dreg:$0x0]  }
0x2: {  	s6 =	rddreg [dreg:$0x1]  }
0x3: {  	s2 =	srdreg.scid;
	s0 =	rddreg [dreg:$0x2]  }
0x4: {  	s1 =	stileid.u32;
	s13 =	simm.s32 $0x1;
	s14 =	simm.s32 $0x10  }
0x5: {  	s15 =	simm.s32 $0x0;
	s3 =	sand.u32 $0x1, s2;
	s2 =	simm.s32 $0x0  }
0x6: {  	s5 =	sshll.u32 s1, $0xF;
	s29 =	sshll.u32 s1, $0x6;
	s30 =	sshll.u32 s1, $0xA  }
0x7: {  	s11 =	sshll.u32 s1, $0xD;
	s12 =	sshll.u32 s1, $0x4;
	s7 =	sshll.u32 s3, $0x13  }
0x8: {  	[smem:$0x7FF] =	sst s2;
	s8 =	sshll.u32 s3, $0xE;
	s9 =	ssub.s32 $0x2, s3  }
0x9: {  	s3 =	sadd.s32 $0x21000, s4;
	s28 =	sshrl.u32 s5, $0x2;
	s11 =	sand.u32 $0x10000, s11  }
0xa: {  	s12 =	sand.u32 $0x70, s12;
	s7 =	sor.u32 s5, s7;
	_ =	strace $0x80000047  }
0xb: {  	s8 =	sadd.s32 s8, s4;
	s26 =	sshrl.u32 s9, $0x1;
	s10 =	sadd.s32 s28, s6  }
0xc: {  	s5 =	sand.u32 $0x2000, s30;
	s6 =	sadd.s32 s11, s6;
	s11 =	simm.s32 $0x80  }
0xd: {  	s7 =	sshrl.u32 s7, $0x3;
	s9 =	ssub.s32 s9, s26;
	s8 =	sadd.s32 s5, s8  }
0xe: {  	s7 =	sadd.s32 s7, s4;
	s4 =	sor.u32 $0x1C02, s29;
	s31 =	sadd.s32 s12, s8  }
0xf: {  	s8 =	smax.u32 s9, $0x1;
	s9 =	sshrl.u32 s10, $0x3;
	s10 =	simm.s32 $0x2  }
0x10: {  	v0 =	vimm.f32 $1.000000000e+00;
	s12 =	simm.s32 $0x8000;
	s5 =	sadd.s32 $0x1000, s7;
	s7 =	sadd.s32 $0x21400, s31  }
.LBB2_1:
0x11: {  	[spmem:s9], [sflag:s4] =	dma.local [hbm:s3], $0x400  }
0x12: {  	_ =	swait.ge [sflag:s10], $0x400  }
0x13: {  	[sflag:s10] =	ssyncset.done $0x0  }
0x14: {  	[sflag:s10] =	ssyncadd.s32 $0xFFFFFC00  }
0x15: {  	[tilespmem:s2], [sflag:$0x2] =	stream.linear.gather [hbm4b:s5+s2], $0x8000, $0x38;
	[tilespmem:$0xA080] =	vst v63  }
0x16: {  	_ =	swait.ge [sflag:s10], $0x8000  }
0x17: {  	[sflag:s10] =	ssyncset.done $0x0  }
0x18: {  	[sflag:s10] =	ssyncadd.s32 $0xFFFF8000  }
0x19: {  	[tilespmem:$0x8000] =	vst v0  }
0x1a: {  	[tilespmem:$0x8010] =	vst v0  }
0x1b: {  	[tilespmem:$0x8020] =	vst v0  }
0x1c: {  	[tilespmem:$0x8030] =	vst v0  }
0x1d: {  	[tilespmem:$0x8040] =	vst v0  }
0x1e: {  	[tilespmem:$0x8050] =	vst v0  }
0x1f: {  	[tilespmem:$0x8060] =	vst v0  }
0x20: {  	[tilespmem:$0x8070] =	vst v0  }
0x21: {  	s16 =	simm.s32 $0x0;
	[bflag:$0x0] =	sbarrier.arrive $0xFFFF  }
0x22: {  	[spmem:s6] =	stream.indirect.scatter.add.f32 [tilespmem:s12], [sflag:$0x1], $0x1, s16, s11, $0xb8;
	[tilespmem:$0xA080] =	vst v63  }
0x23: {  	s31 =	simm.s32 $0x80  }
0x24: {  	[spmem:s6] =	stream.indirect.scatter.add.f32 [tilespmem:s12], [sflag:$0x1], $0x1, s31, s11, $0xb8;
	[tilespmem:$0xA080] =	vst v63  }
0x25: {  	s17 =	simm.s32 $0x100  }
0x26: {  	[spmem:s6] =	stream.indirect.scatter.add.f32 [tilespmem:s12], [sflag:$0x1], $0x1, s17, s11, $0xb8;
	[tilespmem:$0xA080] =	vst v63  }
0x27: {  	s18 =	simm.s32 $0x180  }
0x28: {  	[spmem:s6] =	stream.indirect.scatter.add.f32 [tilespmem:s12], [sflag:$0x1], $0x1, s18, s11, $0xb8;
	[tilespmem:$0xA080] =	vst v63  }
0x29: {  	s19 =	simm.s32 $0x200  }
0x2a: {  	[spmem:s6] =	stream.indirect.scatter.add.f32 [tilespmem:s12], [sflag:$0x1], $0x1, s19, s11, $0xb8;
	[tilespmem:$0xA080] =	vst v63  }
0x2b: {  	s20 =	simm.s32 $0x280  }
0x2c: {  	[spmem:s6] =	stream.indirect.scatter.add.f32 [tilespmem:s12], [sflag:$0x1], $0x1, s20, s11, $0xb8;
	[tilespmem:$0xA080] =	vst v63  }
0x2d: {  	s21 =	simm.s32 $0x300  }
0x2e: {  	[spmem:s6] =	stream.indirect.scatter.add.f32 [tilespmem:s12], [sflag:$0x1], $0x1, s21, s11, $0xb8;
	[tilespmem:$0xA080] =	vst v63  }
0x2f: {  	s22 =	simm.s32 $0x380  }
0x30: {  	[spmem:s6] =	stream.indirect.scatter.add.f32 [tilespmem:s12], [sflag:$0x1], $0x1, s22, s11, $0xb8;
	[tilespmem:$0xA080] =	vst v63  }
0x31: {  	s23 =	simm.s32 $0x400  }
0x32: {  	[spmem:s6] =	stream.indirect.scatter.add.f32 [tilespmem:s12], [sflag:$0x1], $0x1, s23, s11, $0xb8;
	[tilespmem:$0xA080] =	vst v63  }
0x33: {  	s24 =	simm.s32 $0x480  }
0x34: {  	[spmem:s6] =	stream.indirect.scatter.add.f32 [tilespmem:s12], [sflag:$0x1], $0x1, s24, s11, $0xb8;
	[tilespmem:$0xA080] =	vst v63  }
0x35: {  	s25 =	simm.s32 $0x500  }
0x36: {  	[spmem:s6] =	stream.indirect.scatter.add.f32 [tilespmem:s12], [sflag:$0x1], $0x1, s25, s11, $0xb8;
	[tilespmem:$0xA080] =	vst v63  }
0x37: {  	s26 =	simm.s32 $0x580  }
0x38: {  	[spmem:s6] =	stream.indirect.scatter.add.f32 [tilespmem:s12], [sflag:$0x1], $0x1, s26, s11, $0xb8;
	[tilespmem:$0xA080] =	vst v63  }
0x39: {  	s28 =	simm.s32 $0x600  }
0x3a: {  	[spmem:s6] =	stream.indirect.scatter.add.f32 [tilespmem:s12], [sflag:$0x1], $0x1, s28, s11, $0xb8;
	[tilespmem:$0xA080] =	vst v63  }
0x3b: {  	s29 =	simm.s32 $0x680  }
0x3c: {  	[spmem:s6] =	stream.indirect.scatter.add.f32 [tilespmem:s12], [sflag:$0x1], $0x1, s29, s11, $0xb8;
	[tilespmem:$0xA080] =	vst v63  }
0x3d: {  	s30 =	simm.s32 $0x700  }
0x3e: {  	[spmem:s6] =	stream.indirect.scatter.add.f32 [tilespmem:s12], [sflag:$0x1], $0x1, s30, s11, $0xb8;
	[tilespmem:$0xA080] =	vst v63  }
0x3f: {  	s31 =	simm.s32 $0x780  }
0x40: {  	[spmem:s6] =	stream.indirect.scatter.add.f32 [tilespmem:s12], [sflag:$0x1], $0x1, s31, s11, $0xb8;
	[tilespmem:$0xA080] =	vst v63  }
0x41: {  	_ =	swait.ge [sflag:s13], $0x80  }
0x42: {  	[sflag:s13] =	ssyncset.done $0x0  }
0x43: {  	[sflag:s13] =	ssyncadd.s32 $0xFFFFFF80  }
0x44: {  	_ =	swait.ge [sflag:s13], $0x80  }
0x45: {  	[sflag:s13] =	ssyncset.done $0x0  }
0x46: {  	[sflag:s13] =	ssyncadd.s32 $0xFFFFFF80  }
0x47: {  	_ =	swait.ge [sflag:s13], $0x80  }
0x48: {  	[sflag:s13] =	ssyncset.done $0x0  }
0x49: {  	[sflag:s13] =	ssyncadd.s32 $0xFFFFFF80  }
0x4a: {  	_ =	swait.ge [sflag:s13], $0x80  }
0x4b: {  	[sflag:s13] =	ssyncset.done $0x0  }
0x4c: {  	[sflag:s13] =	ssyncadd.s32 $0xFFFFFF80  }
0x4d: {  	_ =	swait.ge [sflag:s13], $0x80  }
0x4e: {  	[sflag:s13] =	ssyncset.done $0x0  }
0x4f: {  	[sflag:s13] =	ssyncadd.s32 $0xFFFFFF80  }
0x50: {  	_ =	swait.ge [sflag:s13], $0x80  }
0x51: {  	[sflag:s13] =	ssyncset.done $0x0  }
0x52: {  	[sflag:s13] =	ssyncadd.s32 $0xFFFFFF80  }
0x53: {  	_ =	swait.ge [sflag:s13], $0x80  }
0x54: {  	[sflag:s13] =	ssyncset.done $0x0  }
0x55: {  	[sflag:s13] =	ssyncadd.s32 $0xFFFFFF80  }
0x56: {  	_ =	swait.ge [sflag:s13], $0x80  }
0x57: {  	[sflag:s13] =	ssyncset.done $0x0  }
0x58: {  	[sflag:s13] =	ssyncadd.s32 $0xFFFFFF80  }
0x59: {  	_ =	swait.ge [sflag:s13], $0x80  }
0x5a: {  	[sflag:s13] =	ssyncset.done $0x0  }
0x5b: {  	[sflag:s13] =	ssyncadd.s32 $0xFFFFFF80  }
0x5c: {  	_ =	swait.ge [sflag:s13], $0x80  }
0x5d: {  	[sflag:s13] =	ssyncset.done $0x0  }
0x5e: {  	[sflag:s13] =	ssyncadd.s32 $0xFFFFFF80  }
0x5f: {  	_ =	swait.ge [sflag:s13], $0x80  }
0x60: {  	[sflag:s13] =	ssyncset.done $0x0  }
0x61: {  	[sflag:s13] =	ssyncadd.s32 $0xFFFFFF80  }
0x62: {  	_ =	swait.ge [sflag:s13], $0x80  }
0x63: {  	[sflag:s13] =	ssyncset.done $0x0  }
0x64: {  	[sflag:s13] =	ssyncadd.s32 $0xFFFFFF80  }
0x65: {  	_ =	swait.ge [sflag:s13], $0x80  }
0x66: {  	[sflag:s13] =	ssyncset.done $0x0  }
0x67: {  	[sflag:s13] =	ssyncadd.s32 $0xFFFFFF80  }
0x68: {  	_ =	swait.ge [sflag:s13], $0x80  }
0x69: {  	[sflag:s13] =	ssyncset.done $0x0  }
0x6a: {  	[sflag:s13] =	ssyncadd.s32 $0xFFFFFF80  }
0x6b: {  	_ =	swait.ge [sflag:s13], $0x80  }
0x6c: {  	[sflag:s13] =	ssyncset.done $0x0  }
0x6d: {  	[sflag:s13] =	ssyncadd.s32 $0xFFFFFF80  }
0x6e: {  	_ =	swait.ge [sflag:s13], $0x80  }
0x6f: {  	s16 =	simm.s32 $0x2000;
	s19 =	simm.s32 $0x4000;
	[sflag:s13] =	ssyncset.done $0x0  }
.LBB2_2:
0x70: {  	s18 =	sshra.s32 s16, $0x2  }
0x71: {  	[sflag:s13] =	ssyncadd.s32 $0xFFFFFF80;
	s16 =	smov.u32 s19;
	s17 =	sadd.s32 $0x2000, s19  }
0x72: {  	[spmem:s6] =	stream.indirect.scatter.add.f32 [tilespmem:s12], [sflag:$0x1], $0x1, s18, s11, $0xb8;
	[tilespmem:$0xA080] =	vst v63  }
0x73: {  	p0 =	sne.s32 s19, $0x1E000;
	s19 =	sadd.s32 $0x80, s18  }
0x74: {  	[spmem:s6] =	stream.indirect.scatter.add.f32 [tilespmem:s12], [sflag:$0x1], $0x1, s19, s11, $0xb8;
	[tilespmem:$0xA080] =	vst v63  }
0x75: {  	s19 =	sadd.s32 $0x100, s18  }
0x76: {  	[spmem:s6] =	stream.indirect.scatter.add.f32 [tilespmem:s12], [sflag:$0x1], $0x1, s19, s11, $0xb8;
	[tilespmem:$0xA080] =	vst v63  }
0x77: {  	s19 =	sadd.s32 $0x180, s18  }
0x78: {  	[spmem:s6] =	stream.indirect.scatter.add.f32 [tilespmem:s12], [sflag:$0x1], $0x1, s19, s11, $0xb8;
	[tilespmem:$0xA080] =	vst v63  }
0x79: {  	s19 =	sadd.s32 $0x200, s18  }
0x7a: {  	[spmem:s6] =	stream.indirect.scatter.add.f32 [tilespmem:s12], [sflag:$0x1], $0x1, s19, s11, $0xb8;
	[tilespmem:$0xA080] =	vst v63  }
0x7b: {  	s19 =	sadd.s32 $0x280, s18  }
0x7c: {  	[spmem:s6] =	stream.indirect.scatter.add.f32 [tilespmem:s12], [sflag:$0x1], $0x1, s19, s11, $0xb8;
	[tilespmem:$0xA080] =	vst v63  }
0x7d: {  	s19 =	sadd.s32 $0x300, s18  }
0x7e: {  	[spmem:s6] =	stream.indirect.scatter.add.f32 [tilespmem:s12], [sflag:$0x1], $0x1, s19, s11, $0xb8;
	[tilespmem:$0xA080] =	vst v63  }
0x7f: {  	s19 =	sadd.s32 $0x380, s18  }
0x80: {  	[spmem:s6] =	stream.indirect.scatter.add.f32 [tilespmem:s12], [sflag:$0x1], $0x1, s19, s11, $0xb8;
	[tilespmem:$0xA080] =	vst v63  }
0x81: {  	s19 =	sadd.s32 $0x400, s18  }
0x82: {  	[spmem:s6] =	stream.indirect.scatter.add.f32 [tilespmem:s12], [sflag:$0x1], $0x1, s19, s11, $0xb8;
	[tilespmem:$0xA080] =	vst v63  }
0x83: {  	s19 =	sadd.s32 $0x480, s18  }
0x84: {  	[spmem:s6] =	stream.indirect.scatter.add.f32 [tilespmem:s12], [sflag:$0x1], $0x1, s19, s11, $0xb8;
	[tilespmem:$0xA080] =	vst v63  }
0x85: {  	s19 =	sadd.s32 $0x500, s18  }
0x86: {  	[spmem:s6] =	stream.indirect.scatter.add.f32 [tilespmem:s12], [sflag:$0x1], $0x1, s19, s11, $0xb8;
	[tilespmem:$0xA080] =	vst v63  }
0x87: {  	s19 =	sadd.s32 $0x580, s18  }
0x88: {  	[spmem:s6] =	stream.indirect.scatter.add.f32 [tilespmem:s12], [sflag:$0x1], $0x1, s19, s11, $0xb8;
	[tilespmem:$0xA080] =	vst v63  }
0x89: {  	s19 =	sadd.s32 $0x600, s18  }
0x8a: {  	[spmem:s6] =	stream.indirect.scatter.add.f32 [tilespmem:s12], [sflag:$0x1], $0x1, s19, s11, $0xb8;
	[tilespmem:$0xA080] =	vst v63  }
0x8b: {  	s19 =	sadd.s32 $0x680, s18  }
0x8c: {  	[spmem:s6] =	stream.indirect.scatter.add.f32 [tilespmem:s12], [sflag:$0x1], $0x1, s19, s11, $0xb8;
	[tilespmem:$0xA080] =	vst v63  }
0x8d: {  	s19 =	sadd.s32 $0x700, s18  }
0x8e: {  	[spmem:s6] =	stream.indirect.scatter.add.f32 [tilespmem:s12], [sflag:$0x1], $0x1, s19, s11, $0xb8;
	[tilespmem:$0xA080] =	vst v63  }
0x8f: {  	s18 =	sadd.s32 $0x780, s18  }
0x90: {  	[spmem:s6] =	stream.indirect.scatter.add.f32 [tilespmem:s12], [sflag:$0x1], $0x1, s18, s11, $0xb8;
	[tilespmem:$0xA080] =	vst v63  }
0x91: {  	_ =	swait.ge [sflag:s13], $0x80  }
0x92: {  	[sflag:s13] =	ssyncset.done $0x0  }
0x93: {  	[sflag:s13] =	ssyncadd.s32 $0xFFFFFF80  }
0x94: {  	_ =	swait.ge [sflag:s13], $0x80  }
0x95: {  	[sflag:s13] =	ssyncset.done $0x0  }
0x96: {  	[sflag:s13] =	ssyncadd.s32 $0xFFFFFF80  }
0x97: {  	_ =	swait.ge [sflag:s13], $0x80  }
0x98: {  	[sflag:s13] =	ssyncset.done $0x0  }
0x99: {  	[sflag:s13] =	ssyncadd.s32 $0xFFFFFF80  }
0x9a: {  	_ =	swait.ge [sflag:s13], $0x80  }
0x9b: {  	[sflag:s13] =	ssyncset.done $0x0  }
0x9c: {  	[sflag:s13] =	ssyncadd.s32 $0xFFFFFF80  }
0x9d: {  	_ =	swait.ge [sflag:s13], $0x80  }
0x9e: {  	[sflag:s13] =	ssyncset.done $0x0  }
0x9f: {  	[sflag:s13] =	ssyncadd.s32 $0xFFFFFF80  }
0xa0: {  	_ =	swait.ge [sflag:s13], $0x80  }
0xa1: {  	[sflag:s13] =	ssyncset.done $0x0  }
0xa2: {  	[sflag:s13] =	ssyncadd.s32 $0xFFFFFF80  }
0xa3: {  	_ =	swait.ge [sflag:s13], $0x80  }
0xa4: {  	[sflag:s13] =	ssyncset.done $0x0  }
0xa5: {  	[sflag:s13] =	ssyncadd.s32 $0xFFFFFF80  }
0xa6: {  	_ =	swait.ge [sflag:s13], $0x80  }
0xa7: {  	[sflag:s13] =	ssyncset.done $0x0  }
0xa8: {  	[sflag:s13] =	ssyncadd.s32 $0xFFFFFF80  }
0xa9: {  	_ =	swait.ge [sflag:s13], $0x80  }
0xaa: {  	[sflag:s13] =	ssyncset.done $0x0  }
0xab: {  	[sflag:s13] =	ssyncadd.s32 $0xFFFFFF80  }
0xac: {  	_ =	swait.ge [sflag:s13], $0x80  }
0xad: {  	[sflag:s13] =	ssyncset.done $0x0  }
0xae: {  	[sflag:s13] =	ssyncadd.s32 $0xFFFFFF80  }
0xaf: {  	_ =	swait.ge [sflag:s13], $0x80  }
0xb0: {  	[sflag:s13] =	ssyncset.done $0x0  }
0xb1: {  	[sflag:s13] =	ssyncadd.s32 $0xFFFFFF80  }
0xb2: {  	_ =	swait.ge [sflag:s13], $0x80  }
0xb3: {  	[sflag:s13] =	ssyncset.done $0x0  }
0xb4: {  	[sflag:s13] =	ssyncadd.s32 $0xFFFFFF80  }
0xb5: {  	_ =	swait.ge [sflag:s13], $0x80  }
0xb6: {  	[sflag:s13] =	ssyncset.done $0x0  }
0xb7: {  	[sflag:s13] =	ssyncadd.s32 $0xFFFFFF80  }
0xb8: {  	_ =	swait.ge [sflag:s13], $0x80  }
0xb9: {  	[sflag:s13] =	ssyncset.done $0x0  }
0xba: {  	[sflag:s13] =	ssyncadd.s32 $0xFFFFFF80  }
.Ltmp0:
0xbb: {  	_ =	swait.ge [sflag:s13], $0x80;
	(pc) =	sbr.rel @p0 .LBB2_2-.Ltmp0, $4  }
0xbc: {  	[sflag:s13] =	ssyncset.done $0x0  }
0xbd: {  	[sflag:s13] =	ssyncadd.s32 $0xFFFFFF80  }
0xbe: {  	_ =	swait.ge [sflag:s13], $0x80  }
0xbf: {  	s19 =	smov.u32 s17;
	[sflag:s13] =	ssyncset.done $0x0  }
0xc0: {  	s16 =	sshra.s32 s16, $0x2;
	[sflag:s13] =	ssyncadd.s32 $0xFFFFFF80  }
0xc1: {  	[spmem:s6] =	stream.indirect.scatter.add.f32 [tilespmem:s12], [sflag:$0x1], $0x1, s16, s11, $0xb8;
	[tilespmem:$0xA080] =	vst v63  }
0xc2: {  	s17 =	sadd.s32 $0x80, s16  }
0xc3: {  	[spmem:s6] =	stream.indirect.scatter.add.f32 [tilespmem:s12], [sflag:$0x1], $0x1, s17, s11, $0xb8;
	[tilespmem:$0xA080] =	vst v63  }
0xc4: {  	s18 =	sadd.s32 $0x100, s16  }
0xc5: {  	[spmem:s6] =	stream.indirect.scatter.add.f32 [tilespmem:s12], [sflag:$0x1], $0x1, s18, s11, $0xb8;
	[tilespmem:$0xA080] =	vst v63  }
0xc6: {  	s19 =	sadd.s32 $0x180, s16  }
0xc7: {  	[spmem:s6] =	stream.indirect.scatter.add.f32 [tilespmem:s12], [sflag:$0x1], $0x1, s19, s11, $0xb8;
	[tilespmem:$0xA080] =	vst v63  }
0xc8: {  	s20 =	sadd.s32 $0x200, s16  }
0xc9: {  	[spmem:s6] =	stream.indirect.scatter.add.f32 [tilespmem:s12], [sflag:$0x1], $0x1, s20, s11, $0xb8;
	[tilespmem:$0xA080] =	vst v63  }
0xca: {  	s21 =	sadd.s32 $0x280, s16  }
0xcb: {  	[spmem:s6] =	stream.indirect.scatter.add.f32 [tilespmem:s12], [sflag:$0x1], $0x1, s21, s11, $0xb8;
	[tilespmem:$0xA080] =	vst v63  }
0xcc: {  	s22 =	sadd.s32 $0x300, s16  }
0xcd: {  	[spmem:s6] =	stream.indirect.scatter.add.f32 [tilespmem:s12], [sflag:$0x1], $0x1, s22, s11, $0xb8;
	[tilespmem:$0xA080] =	vst v63  }
0xce: {  	s23 =	sadd.s32 $0x380, s16  }
0xcf: {  	[spmem:s6] =	stream.indirect.scatter.add.f32 [tilespmem:s12], [sflag:$0x1], $0x1, s23, s11, $0xb8;
	[tilespmem:$0xA080] =	vst v63  }
0xd0: {  	s24 =	sadd.s32 $0x400, s16  }
0xd1: {  	[spmem:s6] =	stream.indirect.scatter.add.f32 [tilespmem:s12], [sflag:$0x1], $0x1, s24, s11, $0xb8;
	[tilespmem:$0xA080] =	vst v63  }
0xd2: {  	s25 =	sadd.s32 $0x480, s16  }
0xd3: {  	[spmem:s6] =	stream.indirect.scatter.add.f32 [tilespmem:s12], [sflag:$0x1], $0x1, s25, s11, $0xb8;
	[tilespmem:$0xA080] =	vst v63  }
0xd4: {  	s26 =	sadd.s32 $0x500, s16  }
0xd5: {  	[spmem:s6] =	stream.indirect.scatter.add.f32 [tilespmem:s12], [sflag:$0x1], $0x1, s26, s11, $0xb8;
	[tilespmem:$0xA080] =	vst v63  }
0xd6: {  	s28 =	sadd.s32 $0x580, s16  }
0xd7: {  	[spmem:s6] =	stream.indirect.scatter.add.f32 [tilespmem:s12], [sflag:$0x1], $0x1, s28, s11, $0xb8;
	[tilespmem:$0xA080] =	vst v63  }
0xd8: {  	s29 =	sadd.s32 $0x600, s16  }
0xd9: {  	[spmem:s6] =	stream.indirect.scatter.add.f32 [tilespmem:s12], [sflag:$0x1], $0x1, s29, s11, $0xb8;
	[tilespmem:$0xA080] =	vst v63  }
0xda: {  	s30 =	sadd.s32 $0x680, s16  }
0xdb: {  	[spmem:s6] =	stream.indirect.scatter.add.f32 [tilespmem:s12], [sflag:$0x1], $0x1, s30, s11, $0xb8;
	[tilespmem:$0xA080] =	vst v63  }
0xdc: {  	s31 =	sadd.s32 $0x700, s16  }
0xdd: {  	[spmem:s6] =	stream.indirect.scatter.add.f32 [tilespmem:s12], [sflag:$0x1], $0x1, s31, s11, $0xb8;
	[tilespmem:$0xA080] =	vst v63  }
0xde: {  	s16 =	sadd.s32 $0x780, s16  }
0xdf: {  	[spmem:s6] =	stream.indirect.scatter.add.f32 [tilespmem:s12], [sflag:$0x1], $0x1, s16, s11, $0xb8;
	[tilespmem:$0xA080] =	vst v63  }
0xe0: {  	_ =	swait.ge [sflag:s13], $0x80  }
0xe1: {  	[sflag:s13] =	ssyncset.done $0x0  }
0xe2: {  	[sflag:s13] =	ssyncadd.s32 $0xFFFFFF80  }
0xe3: {  	_ =	swait.ge [sflag:s13], $0x80  }
0xe4: {  	[sflag:s13] =	ssyncset.done $0x0  }
0xe5: {  	[sflag:s13] =	ssyncadd.s32 $0xFFFFFF80  }
0xe6: {  	_ =	swait.ge [sflag:s13], $0x80  }
0xe7: {  	[sflag:s13] =	ssyncset.done $0x0  }
0xe8: {  	[sflag:s13] =	ssyncadd.s32 $0xFFFFFF80  }
0xe9: {  	_ =	swait.ge [sflag:s13], $0x80  }
0xea: {  	[sflag:s13] =	ssyncset.done $0x0  }
0xeb: {  	[sflag:s13] =	ssyncadd.s32 $0xFFFFFF80  }
0xec: {  	_ =	swait.ge [sflag:s13], $0x80  }
0xed: {  	[sflag:s13] =	ssyncset.done $0x0  }
0xee: {  	[sflag:s13] =	ssyncadd.s32 $0xFFFFFF80  }
0xef: {  	_ =	swait.ge [sflag:s13], $0x80  }
0xf0: {  	[sflag:s13] =	ssyncset.done $0x0  }
0xf1: {  	[sflag:s13] =	ssyncadd.s32 $0xFFFFFF80  }
0xf2: {  	_ =	swait.ge [sflag:s13], $0x80  }
0xf3: {  	[sflag:s13] =	ssyncset.done $0x0  }
0xf4: {  	[sflag:s13] =	ssyncadd.s32 $0xFFFFFF80  }
0xf5: {  	_ =	swait.ge [sflag:s13], $0x80  }
0xf6: {  	[sflag:s13] =	ssyncset.done $0x0  }
0xf7: {  	[sflag:s13] =	ssyncadd.s32 $0xFFFFFF80  }
0xf8: {  	_ =	swait.ge [sflag:s13], $0x80  }
0xf9: {  	[sflag:s13] =	ssyncset.done $0x0  }
0xfa: {  	[sflag:s13] =	ssyncadd.s32 $0xFFFFFF80  }
0xfb: {  	_ =	swait.ge [sflag:s13], $0x80  }
0xfc: {  	[sflag:s13] =	ssyncset.done $0x0  }
0xfd: {  	[sflag:s13] =	ssyncadd.s32 $0xFFFFFF80  }
0xfe: {  	_ =	swait.ge [sflag:s13], $0x80  }
0xff: {  	[sflag:s13] =	ssyncset.done $0x0  }
0x100: {  	[sflag:s13] =	ssyncadd.s32 $0xFFFFFF80  }
0x101: {  	_ =	swait.ge [sflag:s13], $0x80  }
0x102: {  	[sflag:s13] =	ssyncset.done $0x0  }
0x103: {  	[sflag:s13] =	ssyncadd.s32 $0xFFFFFF80  }
0x104: {  	_ =	swait.ge [sflag:s13], $0x80  }
0x105: {  	[sflag:s13] =	ssyncset.done $0x0  }
0x106: {  	[sflag:s13] =	ssyncadd.s32 $0xFFFFFF80  }
0x107: {  	_ =	swait.ge [sflag:s13], $0x80  }
0x108: {  	[sflag:s13] =	ssyncset.done $0x0  }
0x109: {  	[sflag:s13] =	ssyncadd.s32 $0xFFFFFF80  }
0x10a: {  	_ =	swait.ge [sflag:s13], $0x80  }
0x10b: {  	[sflag:s13] =	ssyncset.done $0x0  }
0x10c: {  	[sflag:s13] =	ssyncadd.s32 $0xFFFFFF80  }
0x10d: {  	_ =	swait.ge [sflag:s13], $0x80  }
0x10e: {  	s15 =	sadd.s32 $0x1, s15;
	[sflag:s13] =	ssyncset.done $0x0  }
0x10f: {  	p0 =	sne.s32 s15, s8;
	[sflag:s13] =	ssyncadd.s32 $0xFFFFFF80  }
.Ltmp1:
0x110: {  	[bflag:$0x0] =	sbarrier.arrive $0xFFFF;
	(pc) =	sbr.rel @p0 .LBB2_1-.Ltmp1, $4  }
0x111: {  	[hbm:s7@s11], [sflag:s4] =	dma.strided [spmem:s9@s14], $0x400, s13, $0x10   }
0x112: {  	_ =	swait.ge [sflag:s10], $0x400  }
0x113: {  	[sflag:s10] =	ssyncset.done $0x0  }
0x114: {  	[sflag:s10] =	ssyncadd.s32 $0xFFFFFC00  }
0x115: {  	_ =	sfence.sel $0x180000  }
0x116: {  	[bflag:$0x0] =	sbarrier.arrive $0xFFFF  }
0x117: {  	p0 =	sne.s32 s1, $0x0;
	_ =	strace $0x90000047  }
0x118: {  	s0 =	sadd.s32 @!p0 $0x100000, s0;
	[bflag:$0x2] =	sbarrier.arrive $0xFFFF  }
0x119: {  	[sflag:s0] =	ssyncadd.tile.s32 @!p0 $0x1;
	_ =	shalt  }
.Lfunc_end2:
_tile_overlayer_lowered:
.L_overlay_start_2:
0x11a: {  	(tag) =	ssettag $0x2  }
0x11b: {  	s0 =	rddreg [dreg:$0x0];
	s2 =	stileid.u32  }
0x11c: {  	s1 =	rddreg [dreg:$0x1];
	p0 =	sne.s32 s2, $0x0  }
0x11d: {  	s3 =	rddreg [dreg:$0x2];
	[bflag:$0x3] =	sbarrier.arrive $0xFFFF;
	s2 =	simm.s32 @!p0 $0x1C02  }
0x11e: {  	[timem:s3], [sflag:s2] =	dma.local @!p0 [hbm:s0], s1  }
0x11f: {  	s0 =	simm.s32 @!p0 $0x2  }
0x120: {  	_ =	swait.ge @!p0 [sflag:s0], s1  }
0x121: {  	s1 =	ssub.s32 @!p0 $0x0, s1;
	[sflag:s0] =	ssyncset.done @!p0 $0x0  }
0x122: {  	[sflag:s0] =	ssyncadd.s32 @!p0 s1  }
0x123: {  	[bflag:$0x3] =	sbarrier.arrive $0xFFFF  }
0x124: {  	_ =	shalt  }

</sc_bundles>
